<compile_context>
chip_gen: v7x
topology: tpu7x:2x2x1
jax: 0.10.2.dev20260603
libtpu: 0.0.44.dev20260713+nightly
codegen_flags: <defaults>
</compile_context>

<pallas_src>
import jax
import jax.numpy as jnp
from jax import lax
from jax.experimental import pallas as pl
from jax.experimental.pallas import tpu as pltpu
from jax.experimental.pallas import tpu_sc as plsc

N = 10000
E = 320000
D_IN = 128
D_OUT = 128
NUM_CORES = 2
NUM_TILES = 16
NUM_WORKERS = NUM_CORES * NUM_TILES
EDGES_PER_WORKER = E // NUM_WORKERS
CHUNK = 128
CHUNKS_PER_WORKER = 79
EDGES_PAD = CHUNKS_PER_WORKER * CHUNK
ROWS_PER_TILE = (N // NUM_TILES) // 8 * 8
ROWS_REM = N - NUM_TILES * ROWS_PER_TILE
BN = 1000


def _tc_support_body(x_ref, w_ref, t_ref, out_ref):
    s = jnp.dot(x_ref[...], w_ref[...], preferred_element_type=jnp.float32)
    out_ref[...] = s * t_ref[...]


def _tc_support(x, W, t2):
    return pl.pallas_call(
        _tc_support_body,
        grid=(N // BN,),
        in_specs=[
            pl.BlockSpec((BN, D_IN), lambda i: (i, 0)),
            pl.BlockSpec((D_IN, D_OUT), lambda i: (0, 0)),
            pl.BlockSpec((BN, 1), lambda i: (i, 0)),
        ],
        out_specs=pl.BlockSpec((BN, D_OUT), lambda i: (i, 0)),
        out_shape=jax.ShapeDtypeStruct((N, D_OUT), jnp.float32),
    )(x, W, t2)


def _tc_combine_body(a_ref, b_ref, out_ref):
    out_ref[...] = a_ref[0] + b_ref[0]


def _tc_combine(halves):
    return pl.pallas_call(
        _tc_combine_body,
        grid=(N // BN,),
        in_specs=[
            pl.BlockSpec((1, BN, D_OUT), lambda i: (0, i, 0)),
            pl.BlockSpec((1, BN, D_OUT), lambda i: (1, i, 0)),
        ],
        out_specs=pl.BlockSpec((BN, D_OUT), lambda i: (i, 0)),
        out_shape=jax.ShapeDtypeStruct((N, D_OUT), jnp.float32),
    )(halves, halves)


def _scale_chunk(gbuf, sbuf, w_v, j):
    def group_body(g, carry2):
        wv = w_v[j, pl.ds(g * 16, 16)]
        for i in range(16):
            e = g * 16 + i
            ii = jnp.full((16,), i, jnp.int32)
            wb = lax.gather(
                wv, ii[:, None],
                lax.GatherDimensionNumbers(
                    offset_dims=(), collapsed_slice_dims=(0,),
                    start_index_map=(0,)),
                (1,),
                mode=lax.GatherScatterMode.PROMISE_IN_BOUNDS)
            for q in range(D_OUT // 16):
                sbuf[e, pl.ds(q * 16, 16)] = gbuf[e, pl.ds(q * 16, 16)] * wb
        return carry2

    lax.fori_loop(0, CHUNK // 16, group_body, 0)


def _sc_body(sup_ref, src_ref, dst_ref, w_ref, binit_ref, out_ref,
             acc, src_v, dst_v, w_v, gbuf,
             gsem0):
    c = lax.axis_index("c")
    tid = lax.axis_index("s")

    pltpu.sync_copy(binit_ref.at[c], acc.at[pl.ds(tid * ROWS_PER_TILE, ROWS_PER_TILE)])

    @pl.when(tid == NUM_TILES - 1)
    def _init_rem():
        pltpu.sync_copy(binit_ref.at[c, pl.ds(0, ROWS_REM)],
                        acc.at[pl.ds(NUM_TILES * ROWS_PER_TILE, ROWS_REM)])

    plsc.subcore_barrier()

    pltpu.sync_copy(src_ref.at[c, tid], src_v)
    pltpu.sync_copy(dst_ref.at[c, tid], dst_v)
    pltpu.sync_copy(w_ref.at[c, tid], w_v)

    def chunk_body(k, carry):
        pltpu.async_copy(sup_ref.at[src_v.at[k]], gbuf, gsem0).wait()
        _scale_chunk(gbuf, gbuf, w_v, k)
        pltpu.sync_copy(gbuf, acc.at[dst_v.at[k]], add=True)
        return carry

    lax.fori_loop(0, CHUNKS_PER_WORKER, chunk_body, 0)

    plsc.subcore_barrier()

    r0 = tid * ROWS_PER_TILE
    pltpu.sync_copy(
        acc.at[pl.ds(r0, ROWS_PER_TILE), :],
        out_ref.at[c, pl.ds(r0, ROWS_PER_TILE), :])

    @pl.when(tid == NUM_TILES - 1)
    def _out_rem():
        rr = NUM_TILES * ROWS_PER_TILE
        pltpu.sync_copy(acc.at[pl.ds(rr, ROWS_REM), :],
                        out_ref.at[c, pl.ds(rr, ROWS_REM), :])


def _sc_spmm(support, srcr, dstr, wr, binit):
    mesh = plsc.VectorSubcoreMesh(core_axis_name="c", subcore_axis_name="s")
    kern = pl.kernel(
        _sc_body,
        mesh=mesh,
        out_type=jax.ShapeDtypeStruct((2, N, D_OUT), jnp.float32),
        scratch_types=[
            pltpu.VMEM_SHARED((N, D_OUT), jnp.float32),
            pltpu.VMEM((CHUNKS_PER_WORKER, CHUNK), jnp.int32),
            pltpu.VMEM((CHUNKS_PER_WORKER, CHUNK), jnp.int32),
            pltpu.VMEM((CHUNKS_PER_WORKER, CHUNK), jnp.float32),
            pltpu.VMEM((CHUNK, D_OUT), jnp.float32),
            pltpu.SemaphoreType.DMA,
        ],
    )
    return kern(support, srcr, dstr, wr, binit)


def kernel(input, edge_index, edge_weight, t, W, b):
    x = input.astype(jnp.float32)
    t2 = t.reshape(N, 1)
    support = _tc_support(x, W, t2)

    src = edge_index[0].astype(jnp.int32).reshape(NUM_WORKERS, EDGES_PER_WORKER)
    dst = edge_index[1].astype(jnp.int32).reshape(NUM_WORKERS, EDGES_PER_WORKER)
    w = edge_weight.reshape(NUM_WORKERS, EDGES_PER_WORKER)
    pad = EDGES_PAD - EDGES_PER_WORKER
    eshape = (NUM_CORES, NUM_TILES, CHUNKS_PER_WORKER, CHUNK)
    srcr = jnp.pad(src, ((0, 0), (0, pad))).reshape(eshape)
    dstr = jnp.pad(dst, ((0, 0), (0, pad))).reshape(eshape)
    wr = jnp.pad(w, ((0, 0), (0, pad))).reshape(eshape)

    binit = jnp.stack([
        jnp.broadcast_to(b.reshape(1, D_OUT), (ROWS_PER_TILE, D_OUT)),
        jnp.zeros((ROWS_PER_TILE, D_OUT), jnp.float32),
    ])

    halves = _sc_spmm(support, srcr, dstr, wr, binit)
    return _tc_combine(halves)

# --- scband reference (transcript-rebuilt; emitter-appended) ---
"""Pipeline reference for scband-tgraph-convolution-10574209483501 (READ-ONLY COPY).

The authoritative reference and input builder live on the scoring server;
editing this copy changes nothing except your own understanding.
"""

import jax, jax.numpy as jnp
import numpy as np
import math

N = 10000
E = 320000
D_IN = 128
D_OUT = 128

def setup_inputs(seed: int = 0) -> dict:
    key = jax.random.key(seed)
    k_x, k_ei, k_ew, k_t, k_w, k_b = jax.random.split(key, 6)
    x = jax.random.normal(k_x, (N, D_IN), dtype=jnp.float32)
    edge_index = jax.random.randint(k_ei, (2, E), 0, N, dtype=jnp.int64)
    edge_weight = jax.random.uniform(k_ew, (E,), dtype=jnp.float32)
    t = jax.random.uniform(k_t, (N,), dtype=jnp.float32)
    stdv = 1.0 / math.sqrt(D_OUT)
    W = jax.random.uniform(k_w, (D_IN, D_OUT), dtype=jnp.float32, minval=-stdv, maxval=stdv)
    b = jax.random.uniform(k_b, (D_OUT,), dtype=jnp.float32, minval=-stdv, maxval=stdv)
    return {"input": x, "edge_index": edge_index, "edge_weight": edge_weight, "t": t, "W": W, "b": b}

def reference(input, edge_index, edge_weight, t, W, b):
    # support = mm(input, weight) * t.view(-1, 1)
    support = jnp.matmul(input, W) * t.reshape(-1, 1)
    # output = spmm(adj, support): adj given as (edge_index, edge_weight) COO
    src = edge_index[0]
    dst = edge_index[1]
    msgs = jnp.take(support, src, axis=0) * edge_weight[:, None]
    output = jax.ops.segment_sum(msgs, dst, num_segments=N)
    return output + b

if __name__ == "__main__":
    import jax
    _d = setup_inputs()
    print(jax.jit(kernel)(*tuple(_d.values())))

</pallas_src>

<mosaic_0001>
#map = affine_map<(d0, d1) -> (0, 0)>
#map1 = affine_map<(d0, d1) -> (0, 0, 0, 0)>
#map2 = affine_map<(d0, d1) -> (0, 0, 0)>
module attributes {stable_mosaic.version = 14 : i64} {
  func.func @_sc_body(%arg0: i32, %arg1: i32, %arg2: memref<10000x128xf32, #tpu.memory_space<hbm>>, %arg3: memref<2x16x79x128xi32, #tpu.memory_space<hbm>>, %arg4: memref<2x16x79x128xi32, #tpu.memory_space<hbm>>, %arg5: memref<2x16x79x128xf32, #tpu.memory_space<hbm>>, %arg6: memref<2x624x128xf32, #tpu.memory_space<hbm>>, %arg7: memref<2x10000x128xf32, #tpu.memory_space<hbm>>, %arg8: memref<10000x128xf32, #tpu.memory_space<vmem_shared>>, %arg9: memref<79x128xi32, #tpu.memory_space<vmem>>, %arg10: memref<79x128xi32, #tpu.memory_space<vmem>>, %arg11: memref<79x128xf32, #tpu.memory_space<vmem>>, %arg12: memref<128x128xf32, #tpu.memory_space<vmem>>, %arg13: memref<!tpu.dma_semaphore, #tpu.memory_space<semaphore_mem>>) attributes {dimension_semantics = [#tpu.dimension_semantics<core_parallel>, #tpu.dimension_semantics<subcore_parallel>], iteration_bounds = array<i64: 2, 16>, scalar_prefetch = 0 : i64, scratch_operands = 6 : i64, tpu.core_type = #tpu.core_type<sc_vector_subcore>, window_params = [{transform_indices = #map}, {transform_indices = #map1}, {transform_indices = #map1}, {transform_indices = #map1}, {transform_indices = #map2}, {transform_indices = #map2}]} {
    %mul3A = arith.constant 624 : i32
    %mul3A_0 = arith.muli %arg1, %mul3A : i32
    "tpu.region"() ({
      %run_scoped3A = tpu.sem_alloc : memref<!tpu.dma_semaphore, #tpu.memory_space<semaphore_mem>>
      %dma_start3A = arith.constant 0 : i32
      %dma_start3A_16 = tpu.memref_slice %arg8[%mul3A_0, %dma_start3A] : memref<10000x128xf32, #tpu.memory_space<vmem_shared>> -> memref<624x128xf32, #tpu.memory_space<vmem_shared>>
      %dma_start3A_17 = arith.constant 0 : i32
      %dma_start3A_18 = arith.constant 0 : i32
      %dma_start3A_19 = tpu.memref_slice %arg6[%arg0, %dma_start3A_17, %dma_start3A_18] : memref<2x624x128xf32, #tpu.memory_space<hbm>> -> memref<1x624x128xf32, #tpu.memory_space<hbm>>
      %dma_start3A_20 = tpu.memref_squeeze %dma_start3A_19 : memref<1x624x128xf32, #tpu.memory_space<hbm>> -> memref<624x128xf32, #tpu.memory_space<hbm>>
      tpu.enqueue_dma source(%dma_start3A_20 : memref<624x128xf32, #tpu.memory_space<hbm>>) target(%dma_start3A_16 : memref<624x128xf32, #tpu.memory_space<vmem_shared>>) target_semaphore(%run_scoped3A : memref<!tpu.dma_semaphore, #tpu.memory_space<semaphore_mem>>)
      %dma_wait3A = arith.constant 0 : i32
      %dma_wait3A_21 = tpu.memref_slice %arg8[%mul3A_0, %dma_wait3A] : memref<10000x128xf32, #tpu.memory_space<vmem_shared>> -> memref<624x128xf32, #tpu.memory_space<vmem_shared>>
      %dma_wait3A_22 = arith.constant 0 : i32
      %dma_wait3A_23 = arith.constant 0 : i32
      %dma_wait3A_24 = tpu.memref_slice %arg6[%arg0, %dma_wait3A_22, %dma_wait3A_23] : memref<2x624x128xf32, #tpu.memory_space<hbm>> -> memref<1x624x128xf32, #tpu.memory_space<hbm>>
      %dma_wait3A_25 = tpu.memref_squeeze %dma_wait3A_24 : memref<1x624x128xf32, #tpu.memory_space<hbm>> -> memref<624x128xf32, #tpu.memory_space<hbm>>
      tpu.wait_dma2 semaphore(%run_scoped3A : memref<!tpu.dma_semaphore, #tpu.memory_space<semaphore_mem>>) src(%dma_wait3A_25 : memref<624x128xf32, #tpu.memory_space<hbm>>) dst(%dma_wait3A_21 : memref<624x128xf32, #tpu.memory_space<vmem_shared>>)
      tpu.yield
    }) : () -> ()
    %eq3A = arith.constant 15 : i32
    %eq3A_1 = arith.cmpi eq, %arg1, %eq3A : i32
    %convert_element_type3A = arith.extui %eq3A_1 : i1 to i32
    %cond3A = arith.constant 0 : i32
    %cond3A_2 = arith.cmpi ne, %convert_element_type3A, %cond3A : i32
    scf.if %cond3A_2 {
      "tpu.region"() ({
        %run_scoped3A = tpu.sem_alloc : memref<!tpu.dma_semaphore, #tpu.memory_space<semaphore_mem>>
        %dma_start3A = arith.constant 9984 : i32
        %dma_start3A_16 = arith.constant 0 : i32
        %dma_start3A_17 = tpu.memref_slice %arg8[%dma_start3A, %dma_start3A_16] : memref<10000x128xf32, #tpu.memory_space<vmem_shared>> -> memref<16x128xf32, #tpu.memory_space<vmem_shared>>
        %dma_start3A_18 = arith.constant 0 : i32
        %dma_start3A_19 = arith.constant 0 : i32
        %dma_start3A_20 = tpu.memref_slice %arg6[%arg0, %dma_start3A_18, %dma_start3A_19] : memref<2x624x128xf32, #tpu.memory_space<hbm>> -> memref<1x16x128xf32, #tpu.memory_space<hbm>>
        %dma_start3A_21 = tpu.memref_squeeze %dma_start3A_20 : memref<1x16x128xf32, #tpu.memory_space<hbm>> -> memref<16x128xf32, #tpu.memory_space<hbm>>
        tpu.enqueue_dma source(%dma_start3A_21 : memref<16x128xf32, #tpu.memory_space<hbm>>) target(%dma_start3A_17 : memref<16x128xf32, #tpu.memory_space<vmem_shared>>) target_semaphore(%run_scoped3A : memref<!tpu.dma_semaphore, #tpu.memory_space<semaphore_mem>>)
        %dma_wait3A = arith.constant 9984 : i32
        %dma_wait3A_22 = arith.constant 0 : i32
        %dma_wait3A_23 = tpu.memref_slice %arg8[%dma_wait3A, %dma_wait3A_22] : memref<10000x128xf32, #tpu.memory_space<vmem_shared>> -> memref<16x128xf32, #tpu.memory_space<vmem_shared>>
        %dma_wait3A_24 = arith.constant 0 : i32
        %dma_wait3A_25 = arith.constant 0 : i32
        %dma_wait3A_26 = tpu.memref_slice %arg6[%arg0, %dma_wait3A_24, %dma_wait3A_25] : memref<2x624x128xf32, #tpu.memory_space<hbm>> -> memref<1x16x128xf32, #tpu.memory_space<hbm>>
        %dma_wait3A_27 = tpu.memref_squeeze %dma_wait3A_26 : memref<1x16x128xf32, #tpu.memory_space<hbm>> -> memref<16x128xf32, #tpu.memory_space<hbm>>
        tpu.wait_dma2 semaphore(%run_scoped3A : memref<!tpu.dma_semaphore, #tpu.memory_space<semaphore_mem>>) src(%dma_wait3A_27 : memref<16x128xf32, #tpu.memory_space<hbm>>) dst(%dma_wait3A_23 : memref<16x128xf32, #tpu.memory_space<vmem_shared>>)
        tpu.yield
      }) : () -> ()
    } else {
    }
    %barrier3A = arith.constant 0 : index
    tpu.barrier barrier_id(%barrier3A)
    "tpu.region"() ({
      %run_scoped3A = tpu.sem_alloc : memref<!tpu.dma_semaphore, #tpu.memory_space<semaphore_mem>>
      %dma_start3A = arith.constant 0 : i32
      %dma_start3A_16 = arith.constant 0 : i32
      %dma_start3A_17 = tpu.memref_slice %arg3[%arg0, %arg1, %dma_start3A, %dma_start3A_16] : memref<2x16x79x128xi32, #tpu.memory_space<hbm>> -> memref<1x1x79x128xi32, #tpu.memory_space<hbm>>
      %dma_start3A_18 = tpu.memref_squeeze %dma_start3A_17 : memref<1x1x79x128xi32, #tpu.memory_space<hbm>> -> memref<79x128xi32, #tpu.memory_space<hbm>>
      %dma_start3A_19 = arith.constant 0 : i32
      %dma_start3A_20 = arith.constant 0 : i32
      %dma_start3A_21 = tpu.memref_slice %arg3[%arg0, %arg1, %dma_start3A_19, %dma_start3A_20] : memref<2x16x79x128xi32, #tpu.memory_space<hbm>> -> memref<1x1x79x128xi32, #tpu.memory_space<hbm>>
      %dma_start3A_22 = tpu.memref_squeeze %dma_start3A_21 : memref<1x1x79x128xi32, #tpu.memory_space<hbm>> -> memref<79x128xi32, #tpu.memory_space<hbm>>
      tpu.enqueue_dma source(%dma_start3A_22 : memref<79x128xi32, #tpu.memory_space<hbm>>) target(%arg9 : memref<79x128xi32, #tpu.memory_space<vmem>>) target_semaphore(%run_scoped3A : memref<!tpu.dma_semaphore, #tpu.memory_space<semaphore_mem>>)
      %dma_wait3A = arith.constant 0 : i32
      %dma_wait3A_23 = arith.constant 0 : i32
      %dma_wait3A_24 = tpu.memref_slice %arg3[%arg0, %arg1, %dma_wait3A, %dma_wait3A_23] : memref<2x16x79x128xi32, #tpu.memory_space<hbm>> -> memref<1x1x79x128xi32, #tpu.memory_space<hbm>>
      %dma_wait3A_25 = tpu.memref_squeeze %dma_wait3A_24 : memref<1x1x79x128xi32, #tpu.memory_space<hbm>> -> memref<79x128xi32, #tpu.memory_space<hbm>>
      %dma_wait3A_26 = arith.constant 0 : i32
      %dma_wait3A_27 = arith.constant 0 : i32
      %dma_wait3A_28 = tpu.memref_slice %arg3[%arg0, %arg1, %dma_wait3A_26, %dma_wait3A_27] : memref<2x16x79x128xi32, #tpu.memory_space<hbm>> -> memref<1x1x79x128xi32, #tpu.memory_space<hbm>>
      %dma_wait3A_29 = tpu.memref_squeeze %dma_wait3A_28 : memref<1x1x79x128xi32, #tpu.memory_space<hbm>> -> memref<79x128xi32, #tpu.memory_space<hbm>>
      tpu.wait_dma2 semaphore(%run_scoped3A : memref<!tpu.dma_semaphore, #tpu.memory_space<semaphore_mem>>) src(%dma_wait3A_29 : memref<79x128xi32, #tpu.memory_space<hbm>>) dst(%arg9 : memref<79x128xi32, #tpu.memory_space<vmem>>)
      tpu.yield
    }) : () -> ()
    "tpu.region"() ({
      %run_scoped3A = tpu.sem_alloc : memref<!tpu.dma_semaphore, #tpu.memory_space<semaphore_mem>>
      %dma_start3A = arith.constant 0 : i32
      %dma_start3A_16 = arith.constant 0 : i32
      %dma_start3A_17 = tpu.memref_slice %arg4[%arg0, %arg1, %dma_start3A, %dma_start3A_16] : memref<2x16x79x128xi32, #tpu.memory_space<hbm>> -> memref<1x1x79x128xi32, #tpu.memory_space<hbm>>
      %dma_start3A_18 = tpu.memref_squeeze %dma_start3A_17 : memref<1x1x79x128xi32, #tpu.memory_space<hbm>> -> memref<79x128xi32, #tpu.memory_space<hbm>>
      %dma_start3A_19 = arith.constant 0 : i32
      %dma_start3A_20 = arith.constant 0 : i32
      %dma_start3A_21 = tpu.memref_slice %arg4[%arg0, %arg1, %dma_start3A_19, %dma_start3A_20] : memref<2x16x79x128xi32, #tpu.memory_space<hbm>> -> memref<1x1x79x128xi32, #tpu.memory_space<hbm>>
      %dma_start3A_22 = tpu.memref_squeeze %dma_start3A_21 : memref<1x1x79x128xi32, #tpu.memory_space<hbm>> -> memref<79x128xi32, #tpu.memory_space<hbm>>
      tpu.enqueue_dma source(%dma_start3A_22 : memref<79x128xi32, #tpu.memory_space<hbm>>) target(%arg10 : memref<79x128xi32, #tpu.memory_space<vmem>>) target_semaphore(%run_scoped3A : memref<!tpu.dma_semaphore, #tpu.memory_space<semaphore_mem>>)
      %dma_wait3A = arith.constant 0 : i32
      %dma_wait3A_23 = arith.constant 0 : i32
      %dma_wait3A_24 = tpu.memref_slice %arg4[%arg0, %arg1, %dma_wait3A, %dma_wait3A_23] : memref<2x16x79x128xi32, #tpu.memory_space<hbm>> -> memref<1x1x79x128xi32, #tpu.memory_space<hbm>>
      %dma_wait3A_25 = tpu.memref_squeeze %dma_wait3A_24 : memref<1x1x79x128xi32, #tpu.memory_space<hbm>> -> memref<79x128xi32, #tpu.memory_space<hbm>>
      %dma_wait3A_26 = arith.constant 0 : i32
      %dma_wait3A_27 = arith.constant 0 : i32
      %dma_wait3A_28 = tpu.memref_slice %arg4[%arg0, %arg1, %dma_wait3A_26, %dma_wait3A_27] : memref<2x16x79x128xi32, #tpu.memory_space<hbm>> -> memref<1x1x79x128xi32, #tpu.memory_space<hbm>>
      %dma_wait3A_29 = tpu.memref_squeeze %dma_wait3A_28 : memref<1x1x79x128xi32, #tpu.memory_space<hbm>> -> memref<79x128xi32, #tpu.memory_space<hbm>>
      tpu.wait_dma2 semaphore(%run_scoped3A : memref<!tpu.dma_semaphore, #tpu.memory_space<semaphore_mem>>) src(%dma_wait3A_29 : memref<79x128xi32, #tpu.memory_space<hbm>>) dst(%arg10 : memref<79x128xi32, #tpu.memory_space<vmem>>)
      tpu.yield
    }) : () -> ()
    "tpu.region"() ({
      %run_scoped3A = tpu.sem_alloc : memref<!tpu.dma_semaphore, #tpu.memory_space<semaphore_mem>>
      %dma_start3A = arith.constant 0 : i32
      %dma_start3A_16 = arith.constant 0 : i32
      %dma_start3A_17 = tpu.memref_slice %arg5[%arg0, %arg1, %dma_start3A, %dma_start3A_16] : memref<2x16x79x128xf32, #tpu.memory_space<hbm>> -> memref<1x1x79x128xf32, #tpu.memory_space<hbm>>
      %dma_start3A_18 = tpu.memref_squeeze %dma_start3A_17 : memref<1x1x79x128xf32, #tpu.memory_space<hbm>> -> memref<79x128xf32, #tpu.memory_space<hbm>>
      %dma_start3A_19 = arith.constant 0 : i32
      %dma_start3A_20 = arith.constant 0 : i32
      %dma_start3A_21 = tpu.memref_slice %arg5[%arg0, %arg1, %dma_start3A_19, %dma_start3A_20] : memref<2x16x79x128xf32, #tpu.memory_space<hbm>> -> memref<1x1x79x128xf32, #tpu.memory_space<hbm>>
      %dma_start3A_22 = tpu.memref_squeeze %dma_start3A_21 : memref<1x1x79x128xf32, #tpu.memory_space<hbm>> -> memref<79x128xf32, #tpu.memory_space<hbm>>
      tpu.enqueue_dma source(%dma_start3A_22 : memref<79x128xf32, #tpu.memory_space<hbm>>) target(%arg11 : memref<79x128xf32, #tpu.memory_space<vmem>>) target_semaphore(%run_scoped3A : memref<!tpu.dma_semaphore, #tpu.memory_space<semaphore_mem>>)
      %dma_wait3A = arith.constant 0 : i32
      %dma_wait3A_23 = arith.constant 0 : i32
      %dma_wait3A_24 = tpu.memref_slice %arg5[%arg0, %arg1, %dma_wait3A, %dma_wait3A_23] : memref<2x16x79x128xf32, #tpu.memory_space<hbm>> -> memref<1x1x79x128xf32, #tpu.memory_space<hbm>>
      %dma_wait3A_25 = tpu.memref_squeeze %dma_wait3A_24 : memref<1x1x79x128xf32, #tpu.memory_space<hbm>> -> memref<79x128xf32, #tpu.memory_space<hbm>>
      %dma_wait3A_26 = arith.constant 0 : i32
      %dma_wait3A_27 = arith.constant 0 : i32
      %dma_wait3A_28 = tpu.memref_slice %arg5[%arg0, %arg1, %dma_wait3A_26, %dma_wait3A_27] : memref<2x16x79x128xf32, #tpu.memory_space<hbm>> -> memref<1x1x79x128xf32, #tpu.memory_space<hbm>>
      %dma_wait3A_29 = tpu.memref_squeeze %dma_wait3A_28 : memref<1x1x79x128xf32, #tpu.memory_space<hbm>> -> memref<79x128xf32, #tpu.memory_space<hbm>>
      tpu.wait_dma2 semaphore(%run_scoped3A : memref<!tpu.dma_semaphore, #tpu.memory_space<semaphore_mem>>) src(%dma_wait3A_29 : memref<79x128xf32, #tpu.memory_space<hbm>>) dst(%arg11 : memref<79x128xf32, #tpu.memory_space<vmem>>)
      tpu.yield
    }) : () -> ()
    %scan3A = arith.constant 0 : i32
    %scan3A_3 = arith.constant 0 : i32
    %scan3A_4 = arith.constant 79 : i32
    %scan3A_5 = arith.addi %scan3A_3, %scan3A_4 : i32
    %scan3A_6 = arith.constant 1 : i32
    scf.for %scan3A_16 = %scan3A_3 to %scan3A_5 step %scan3A_6  : i32 {
      %dma_start3A = arith.constant 0 : i32
      %dma_start3A_17 = tpu.memref_slice %arg9[%scan3A_16, %dma_start3A] : memref<79x128xi32, #tpu.memory_space<vmem>> -> memref<1x128xi32, #tpu.memory_space<vmem>>
      %dma_start3A_18 = tpu.memref_squeeze %dma_start3A_17 : memref<1x128xi32, #tpu.memory_space<vmem>> -> memref<128xi32, #tpu.memory_space<vmem>>
      %dma_start3A_19 = arith.constant 0 : i32
      %dma_start3A_20 = arith.constant 0 : i32
      %dma_start3A_21 = tpu.memref_slice %arg2[%dma_start3A_19, %dma_start3A_20] : memref<10000x128xf32, #tpu.memory_space<hbm>> -> memref<10000x128xf32, #tpu.memory_space<hbm>>
      tpu.enqueue_indirect_dma source(%dma_start3A_21 : memref<10000x128xf32, #tpu.memory_space<hbm>>) target(%arg12 : memref<128x128xf32, #tpu.memory_space<vmem>>) offsets(%dma_start3A_18 : memref<128xi32, #tpu.memory_space<vmem>>) semaphore(%arg13 : memref<!tpu.dma_semaphore, #tpu.memory_space<semaphore_mem>>)
      %dma_wait3A = arith.constant 0 : i32
      %dma_wait3A_22 = tpu.memref_slice %arg9[%scan3A_16, %dma_wait3A] : memref<79x128xi32, #tpu.memory_space<vmem>> -> memref<1x128xi32, #tpu.memory_space<vmem>>
      %dma_wait3A_23 = tpu.memref_squeeze %dma_wait3A_22 : memref<1x128xi32, #tpu.memory_space<vmem>> -> memref<128xi32, #tpu.memory_space<vmem>>
      %dma_wait3A_24 = arith.constant 0 : i32
      %dma_wait3A_25 = arith.constant 0 : i32
      %dma_wait3A_26 = tpu.memref_slice %arg2[%dma_wait3A_24, %dma_wait3A_25] : memref<10000x128xf32, #tpu.memory_space<hbm>> -> memref<10000x128xf32, #tpu.memory_space<hbm>>
      tpu.wait_indirect_dma semaphore(%arg13 : memref<!tpu.dma_semaphore, #tpu.memory_space<semaphore_mem>>) src(%dma_wait3A_26 : memref<10000x128xf32, #tpu.memory_space<hbm>>) dst(%arg12 : memref<128x128xf32, #tpu.memory_space<vmem>>)
      %scan3A_27 = arith.constant 0 : i32
      %scan3A_28 = arith.constant 0 : i32
      %scan3A_29 = arith.constant 8 : i32
      %scan3A_30 = arith.addi %scan3A_28, %scan3A_29 : i32
      %scan3A_31 = arith.constant 1 : i32
      scf.for %scan3A_33 = %scan3A_28 to %scan3A_30 step %scan3A_31  : i32 {
        %mul3A_34 = arith.constant 16 : i32
        %mul3A_35 = arith.muli %scan3A_33, %mul3A_34 : i32
        %get3A = arith.index_cast %scan3A_16 : i32 to index
        %get3A_36 = arith.index_cast %mul3A_35 : i32 to index
        %get3A_37 = tpu.vector_load %arg11[%get3A, %get3A_36] {strides = array<i32>} : memref<79x128xf32, #tpu.memory_space<vmem>>, vector<1x16xf32>,
        %get3A_38 = vector.shape_cast %get3A_37 : vector<1x16xf32> to vector<16xf32>
        %mul3A_39 = arith.constant 16 : i32
        %mul3A_40 = arith.muli %scan3A_33, %mul3A_39 : i32
        %add3A = arith.constant 0 : i32
        %add3A_41 = arith.addi %mul3A_40, %add3A : i32
        %broadcast_in_dim3A = arith.constant 0 : i32
        %broadcast_in_dim3A_42 = vector.broadcast %broadcast_in_dim3A : i32 to vector<16xi32>
        %broadcast_in_dim3A_43 = vector.shape_cast %broadcast_in_dim3A_42 : vector<16xi32> to vector<16x1xi32>
        %gather3A = vector.shape_cast %broadcast_in_dim3A_43 : vector<16x1xi32> to vector<16xi32>
        %gather3A_44 = tpu.dynamic_gather %get3A_38[%gather3A] in [0] : vector<16xf32>, vector<16xi32> -> vector<16xf32>
        %get3A_45 = arith.index_cast %add3A_41 : i32 to index
        %get3A_46 = arith.constant 0 : index
        %get3A_47 = tpu.vector_load %arg12[%get3A_45, %get3A_46] {strides = array<i32>} : memref<128x128xf32, #tpu.memory_space<vmem>>, vector<1x16xf32>,
        %get3A_48 = vector.shape_cast %get3A_47 : vector<1x16xf32> to vector<16xf32>
        %mul3A_49 = arith.mulf %get3A_48, %gather3A_44 : vector<16xf32>
        %swap3A = arith.index_cast %add3A_41 : i32 to index
        %swap3A_50 = arith.constant 0 : index
        %swap3A_51 = tpu.vector_load %arg12[%swap3A, %swap3A_50] {strides = array<i32>} : memref<128x128xf32, #tpu.memory_space<vmem>>, vector<1x16xf32>,
        %swap3A_52 = vector.shape_cast %swap3A_51 : vector<1x16xf32> to vector<16xf32>
        %swap3A_53 = vector.shape_cast %mul3A_49 : vector<16xf32> to vector<1x16xf32>
        tpu.vector_store %arg12[%swap3A, %swap3A_50], %swap3A_53 {strides = array<i32>} : memref<128x128xf32, #tpu.memory_space<vmem>>, vector<1x16xf32>,
        %get3A_54 = arith.index_cast %add3A_41 : i32 to index
        %get3A_55 = arith.constant 16 : index
        %get3A_56 = tpu.vector_load %arg12[%get3A_54, %get3A_55] {strides = array<i32>} : memref<128x128xf32, #tpu.memory_space<vmem>>, vector<1x16xf32>,
        %get3A_57 = vector.shape_cast %get3A_56 : vector<1x16xf32> to vector<16xf32>
        %mul3A_58 = arith.mulf %get3A_57, %gather3A_44 : vector<16xf32>
        %swap3A_59 = arith.index_cast %add3A_41 : i32 to index
        %swap3A_60 = arith.constant 16 : index
        %swap3A_61 = tpu.vector_load %arg12[%swap3A_59, %swap3A_60] {strides = array<i32>} : memref<128x128xf32, #tpu.memory_space<vmem>>, vector<1x16xf32>,
        %swap3A_62 = vector.shape_cast %swap3A_61 : vector<1x16xf32> to vector<16xf32>
        %swap3A_63 = vector.shape_cast %mul3A_58 : vector<16xf32> to vector<1x16xf32>
        tpu.vector_store %arg12[%swap3A_59, %swap3A_60], %swap3A_63 {strides = array<i32>} : memref<128x128xf32, #tpu.memory_space<vmem>>, vector<1x16xf32>,
        %get3A_64 = arith.index_cast %add3A_41 : i32 to index
        %get3A_65 = arith.constant 32 : index
        %get3A_66 = tpu.vector_load %arg12[%get3A_64, %get3A_65] {strides = array<i32>} : memref<128x128xf32, #tpu.memory_space<vmem>>, vector<1x16xf32>,
        %get3A_67 = vector.shape_cast %get3A_66 : vector<1x16xf32> to vector<16xf32>
        %mul3A_68 = arith.mulf %get3A_67, %gather3A_44 : vector<16xf32>
        %swap3A_69 = arith.index_cast %add3A_41 : i32 to index
        %swap3A_70 = arith.constant 32 : index
        %swap3A_71 = tpu.vector_load %arg12[%swap3A_69, %swap3A_70] {strides = array<i32>} : memref<128x128xf32, #tpu.memory_space<vmem>>, vector<1x16xf32>,
        %swap3A_72 = vector.shape_cast %swap3A_71 : vector<1x16xf32> to vector<16xf32>
        %swap3A_73 = vector.shape_cast %mul3A_68 : vector<16xf32> to vector<1x16xf32>
        tpu.vector_store %arg12[%swap3A_69, %swap3A_70], %swap3A_73 {strides = array<i32>} : memref<128x128xf32, #tpu.memory_space<vmem>>, vector<1x16xf32>,
        %get3A_74 = arith.index_cast %add3A_41 : i32 to index
        %get3A_75 = arith.constant 48 : index
        %get3A_76 = tpu.vector_load %arg12[%get3A_74, %get3A_75] {strides = array<i32>} : memref<128x128xf32, #tpu.memory_space<vmem>>, vector<1x16xf32>,
        %get3A_77 = vector.shape_cast %get3A_76 : vector<1x16xf32> to vector<16xf32>
        %mul3A_78 = arith.mulf %get3A_77, %gather3A_44 : vector<16xf32>
        %swap3A_79 = arith.index_cast %add3A_41 : i32 to index
        %swap3A_80 = arith.constant 48 : index
        %swap3A_81 = tpu.vector_load %arg12[%swap3A_79, %swap3A_80] {strides = array<i32>} : memref<128x128xf32, #tpu.memory_space<vmem>>, vector<1x16xf32>,
        %swap3A_82 = vector.shape_cast %swap3A_81 : vector<1x16xf32> to vector<16xf32>
        %swap3A_83 = vector.shape_cast %mul3A_78 : vector<16xf32> to vector<1x16xf32>
        tpu.vector_store %arg12[%swap3A_79, %swap3A_80], %swap3A_83 {strides = array<i32>} : memref<128x128xf32, #tpu.memory_space<vmem>>, vector<1x16xf32>,
        %get3A_84 = arith.index_cast %add3A_41 : i32 to index
        %get3A_85 = arith.constant 64 : index
        %get3A_86 = tpu.vector_load %arg12[%get3A_84, %get3A_85] {strides = array<i32>} : memref<128x128xf32, #tpu.memory_space<vmem>>, vector<1x16xf32>,
        %get3A_87 = vector.shape_cast %get3A_86 : vector<1x16xf32> to vector<16xf32>
        %mul3A_88 = arith.mulf %get3A_87, %gather3A_44 : vector<16xf32>
        %swap3A_89 = arith.index_cast %add3A_41 : i32 to index
        %swap3A_90 = arith.constant 64 : index
        %swap3A_91 = tpu.vector_load %arg12[%swap3A_89, %swap3A_90] {strides = array<i32>} : memref<128x128xf32, #tpu.memory_space<vmem>>, vector<1x16xf32>,
        %swap3A_92 = vector.shape_cast %swap3A_91 : vector<1x16xf32> to vector<16xf32>
        %swap3A_93 = vector.shape_cast %mul3A_88 : vector<16xf32> to vector<1x16xf32>
        tpu.vector_store %arg12[%swap3A_89, %swap3A_90], %swap3A_93 {strides = array<i32>} : memref<128x128xf32, #tpu.memory_space<vmem>>, vector<1x16xf32>,
        %get3A_94 = arith.index_cast %add3A_41 : i32 to index
        %get3A_95 = arith.constant 80 : index
        %get3A_96 = tpu.vector_load %arg12[%get3A_94, %get3A_95] {strides = array<i32>} : memref<128x128xf32, #tpu.memory_space<vmem>>, vector<1x16xf32>,
        %get3A_97 = vector.shape_cast %get3A_96 : vector<1x16xf32> to vector<16xf32>
        %mul3A_98 = arith.mulf %get3A_97, %gather3A_44 : vector<16xf32>
        %swap3A_99 = arith.index_cast %add3A_41 : i32 to index
        %swap3A_100 = arith.constant 80 : index
        %swap3A_101 = tpu.vector_load %arg12[%swap3A_99, %swap3A_100] {strides = array<i32>} : memref<128x128xf32, #tpu.memory_space<vmem>>, vector<1x16xf32>,
        %swap3A_102 = vector.shape_cast %swap3A_101 : vector<1x16xf32> to vector<16xf32>
        %swap3A_103 = vector.shape_cast %mul3A_98 : vector<16xf32> to vector<1x16xf32>
        tpu.vector_store %arg12[%swap3A_99, %swap3A_100], %swap3A_103 {strides = array<i32>} : memref<128x128xf32, #tpu.memory_space<vmem>>, vector<1x16xf32>,
        %get3A_104 = arith.index_cast %add3A_41 : i32 to index
        %get3A_105 = arith.constant 96 : index
        %get3A_106 = tpu.vector_load %arg12[%get3A_104, %get3A_105] {strides = array<i32>} : memref<128x128xf32, #tpu.memory_space<vmem>>, vector<1x16xf32>,
        %get3A_107 = vector.shape_cast %get3A_106 : vector<1x16xf32> to vector<16xf32>
        %mul3A_108 = arith.mulf %get3A_107, %gather3A_44 : vector<16xf32>
        %swap3A_109 = arith.index_cast %add3A_41 : i32 to index
        %swap3A_110 = arith.constant 96 : index
        %swap3A_111 = tpu.vector_load %arg12[%swap3A_109, %swap3A_110] {strides = array<i32>} : memref<128x128xf32, #tpu.memory_space<vmem>>, vector<1x16xf32>,
        %swap3A_112 = vector.shape_cast %swap3A_111 : vector<1x16xf32> to vector<16xf32>
        %swap3A_113 = vector.shape_cast %mul3A_108 : vector<16xf32> to vector<1x16xf32>
        tpu.vector_store %arg12[%swap3A_109, %swap3A_110], %swap3A_113 {strides = array<i32>} : memref<128x128xf32, #tpu.memory_space<vmem>>, vector<1x16xf32>,
        %get3A_114 = arith.index_cast %add3A_41 : i32 to index
        %get3A_115 = arith.constant 112 : index
        %get3A_116 = tpu.vector_load %arg12[%get3A_114, %get3A_115] {strides = array<i32>} : memref<128x128xf32, #tpu.memory_space<vmem>>, vector<1x16xf32>,
        %get3A_117 = vector.shape_cast %get3A_116 : vector<1x16xf32> to vector<16xf32>
        %mul3A_118 = arith.mulf %get3A_117, %gather3A_44 : vector<16xf32>
        %swap3A_119 = arith.index_cast %add3A_41 : i32 to index
        %swap3A_120 = arith.constant 112 : index
        %swap3A_121 = tpu.vector_load %arg12[%swap3A_119, %swap3A_120] {strides = array<i32>} : memref<128x128xf32, #tpu.memory_space<vmem>>, vector<1x16xf32>,
        %swap3A_122 = vector.shape_cast %swap3A_121 : vector<1x16xf32> to vector<16xf32>
        %swap3A_123 = vector.shape_cast %mul3A_118 : vector<16xf32> to vector<1x16xf32>
        tpu.vector_store %arg12[%swap3A_119, %swap3A_120], %swap3A_123 {strides = array<i32>} : memref<128x128xf32, #tpu.memory_space<vmem>>, vector<1x16xf32>,
        %mul3A_124 = arith.constant 16 : i32
        %mul3A_125 = arith.muli %scan3A_33, %mul3A_124 : i32
        %add3A_126 = arith.constant 1 : i32
        %add3A_127 = arith.addi %mul3A_125, %add3A_126 : i32
        %broadcast_in_dim3A_128 = arith.constant 1 : i32
        %broadcast_in_dim3A_129 = vector.broadcast %broadcast_in_dim3A_128 : i32 to vector<16xi32>
        %broadcast_in_dim3A_130 = vector.shape_cast %broadcast_in_dim3A_129 : vector<16xi32> to vector<16x1xi32>
        %gather3A_131 = vector.shape_cast %broadcast_in_dim3A_130 : vector<16x1xi32> to vector<16xi32>
        %gather3A_132 = tpu.dynamic_gather %get3A_38[%gather3A_131] in [0] : vector<16xf32>, vector<16xi32> -> vector<16xf32>
        %get3A_133 = arith.index_cast %add3A_127 : i32 to index
        %get3A_134 = arith.constant 0 : index
        %get3A_135 = tpu.vector_load %arg12[%get3A_133, %get3A_134] {strides = array<i32>} : memref<128x128xf32, #tpu.memory_space<vmem>>, vector<1x16xf32>,
        %get3A_136 = vector.shape_cast %get3A_135 : vector<1x16xf32> to vector<16xf32>
        %mul3A_137 = arith.mulf %get3A_136, %gather3A_132 : vector<16xf32>
        %swap3A_138 = arith.index_cast %add3A_127 : i32 to index
        %swap3A_139 = arith.constant 0 : index
        %swap3A_140 = tpu.vector_load %arg12[%swap3A_138, %swap3A_139] {strides = array<i32>} : memref<128x128xf32, #tpu.memory_space<vmem>>, vector<1x16xf32>,
        %swap3A_141 = vector.shape_cast %swap3A_140 : vector<1x16xf32> to vector<16xf32>
        %swap3A_142 = vector.shape_cast %mul3A_137 : vector<16xf32> to vector<1x16xf32>
        tpu.vector_store %arg12[%swap3A_138, %swap3A_139], %swap3A_142 {strides = array<i32>} : memref<128x128xf32, #tpu.memory_space<vmem>>, vector<1x16xf32>,
        %get3A_143 = arith.index_cast %add3A_127 : i32 to index
        %get3A_144 = arith.constant 16 : index
        %get3A_145 = tpu.vector_load %arg12[%get3A_143, %get3A_144] {strides = array<i32>} : memref<128x128xf32, #tpu.memory_space<vmem>>, vector<1x16xf32>,
        %get3A_146 = vector.shape_cast %get3A_145 : vector<1x16xf32> to vector<16xf32>
        %mul3A_147 = arith.mulf %get3A_146, %gather3A_132 : vector<16xf32>
        %swap3A_148 = arith.index_cast %add3A_127 : i32 to index
        %swap3A_149 = arith.constant 16 : index
        %swap3A_150 = tpu.vector_load %arg12[%swap3A_148, %swap3A_149] {strides = array<i32>} : memref<128x128xf32, #tpu.memory_space<vmem>>, vector<1x16xf32>,
        %swap3A_151 = vector.shape_cast %swap3A_150 : vector<1x16xf32> to vector<16xf32>
        %swap3A_152 = vector.shape_cast %mul3A_147 : vector<16xf32> to vector<1x16xf32>
        tpu.vector_store %arg12[%swap3A_148, %swap3A_149], %swap3A_152 {strides = array<i32>} : memref<128x128xf32, #tpu.memory_space<vmem>>, vector<1x16xf32>,
        %get3A_153 = arith.index_cast %add3A_127 : i32 to index
        %get3A_154 = arith.constant 32 : index
        %get3A_155 = tpu.vector_load %arg12[%get3A_153, %get3A_154] {strides = array<i32>} : memref<128x128xf32, #tpu.memory_space<vmem>>, vector<1x16xf32>,
        %get3A_156 = vector.shape_cast %get3A_155 : vector<1x16xf32> to vector<16xf32>
        %mul3A_157 = arith.mulf %get3A_156, %gather3A_132 : vector<16xf32>
        %swap3A_158 = arith.index_cast %add3A_127 : i32 to index
        %swap3A_159 = arith.constant 32 : index
        %swap3A_160 = tpu.vector_load %arg12[%swap3A_158, %swap3A_159] {strides = array<i32>} : memref<128x128xf32, #tpu.memory_space<vmem>>, vector<1x16xf32>,
        %swap3A_161 = vector.shape_cast %swap3A_160 : vector<1x16xf32> to vector<16xf32>
        %swap3A_162 = vector.shape_cast %mul3A_157 : vector<16xf32> to vector<1x16xf32>
        tpu.vector_store %arg12[%swap3A_158, %swap3A_159], %swap3A_162 {strides = array<i32>} : memref<128x128xf32, #tpu.memory_space<vmem>>, vector<1x16xf32>,
        %get3A_163 = arith.index_cast %add3A_127 : i32 to index
        %get3A_164 = arith.constant 48 : index
        %get3A_165 = tpu.vector_load %arg12[%get3A_163, %get3A_164] {strides = array<i32>} : memref<128x128xf32, #tpu.memory_space<vmem>>, vector<1x16xf32>,
        %get3A_166 = vector.shape_cast %get3A_165 : vector<1x16xf32> to vector<16xf32>
        %mul3A_167 = arith.mulf %get3A_166, %gather3A_132 : vector<16xf32>
        %swap3A_168 = arith.index_cast %add3A_127 : i32 to index
        %swap3A_169 = arith.constant 48 : index
        %swap3A_170 = tpu.vector_load %arg12[%swap3A_168, %swap3A_169] {strides = array<i32>} : memref<128x128xf32, #tpu.memory_space<vmem>>, vector<1x16xf32>,
        %swap3A_171 = vector.shape_cast %swap3A_170 : vector<1x16xf32> to vector<16xf32>
        %swap3A_172 = vector.shape_cast %mul3A_167 : vector<16xf32> to vector<1x16xf32>
        tpu.vector_store %arg12[%swap3A_168, %swap3A_169], %swap3A_172 {strides = array<i32>} : memref<128x128xf32, #tpu.memory_space<vmem>>, vector<1x16xf32>,
        %get3A_173 = arith.index_cast %add3A_127 : i32 to index
        %get3A_174 = arith.constant 64 : index
        %get3A_175 = tpu.vector_load %arg12[%get3A_173, %get3A_174] {strides = array<i32>} : memref<128x128xf32, #tpu.memory_space<vmem>>, vector<1x16xf32>,
        %get3A_176 = vector.shape_cast %get3A_175 : vector<1x16xf32> to vector<16xf32>
        %mul3A_177 = arith.mulf %get3A_176, %gather3A_132 : vector<16xf32>
        %swap3A_178 = arith.index_cast %add3A_127 : i32 to index
        %swap3A_179 = arith.constant 64 : index
        %swap3A_180 = tpu.vector_load %arg12[%swap3A_178, %swap3A_179] {strides = array<i32>} : memref<128x128xf32, #tpu.memory_space<vmem>>, vector<1x16xf32>,
        %swap3A_181 = vector.shape_cast %swap3A_180 : vector<1x16xf32> to vector<16xf32>
        %swap3A_182 = vector.shape_cast %mul3A_177 : vector<16xf32> to vector<1x16xf32>
        tpu.vector_store %arg12[%swap3A_178, %swap3A_179], %swap3A_182 {strides = array<i32>} : memref<128x128xf32, #tpu.memory_space<vmem>>, vector<1x16xf32>,
        %get3A_183 = arith.index_cast %add3A_127 : i32 to index
        %get3A_184 = arith.constant 80 : index
        %get3A_185 = tpu.vector_load %arg12[%get3A_183, %get3A_184] {strides = array<i32>} : memref<128x128xf32, #tpu.memory_space<vmem>>, vector<1x16xf32>,
        %get3A_186 = vector.shape_cast %get3A_185 : vector<1x16xf32> to vector<16xf32>
        %mul3A_187 = arith.mulf %get3A_186, %gather3A_132 : vector<16xf32>
        %swap3A_188 = arith.index_cast %add3A_127 : i32 to index
        %swap3A_189 = arith.constant 80 : index
        %swap3A_190 = tpu.vector_load %arg12[%swap3A_188, %swap3A_189] {strides = array<i32>} : memref<128x128xf32, #tpu.memory_space<vmem>>, vector<1x16xf32>,
        %swap3A_191 = vector.shape_cast %swap3A_190 : vector<1x16xf32> to vector<16xf32>
        %swap3A_192 = vector.shape_cast %mul3A_187 : vector<16xf32> to vector<1x16xf32>
        tpu.vector_store %arg12[%swap3A_188, %swap3A_189], %swap3A_192 {strides = array<i32>} : memref<128x128xf32, #tpu.memory_space<vmem>>, vector<1x16xf32>,
        %get3A_193 = arith.index_cast %add3A_127 : i32 to index
        %get3A_194 = arith.constant 96 : index
        %get3A_195 = tpu.vector_load %arg12[%get3A_193, %get3A_194] {strides = array<i32>} : memref<128x128xf32, #tpu.memory_space<vmem>>, vector<1x16xf32>,
        %get3A_196 = vector.shape_cast %get3A_195 : vector<1x16xf32> to vector<16xf32>
        %mul3A_197 = arith.mulf %get3A_196, %gather3A_132 : vector<16xf32>
        %swap3A_198 = arith.index_cast %add3A_127 : i32 to index
        %swap3A_199 = arith.constant 96 : index
        %swap3A_200 = tpu.vector_load %arg12[%swap3A_198, %swap3A_199] {strides = array<i32>} : memref<128x128xf32, #tpu.memory_space<vmem>>, vector<1x16xf32>,
        %swap3A_201 = vector.shape_cast %swap3A_200 : vector<1x16xf32> to vector<16xf32>
        %swap3A_202 = vector.shape_cast %mul3A_197 : vector<16xf32> to vector<1x16xf32>
        tpu.vector_store %arg12[%swap3A_198, %swap3A_199], %swap3A_202 {strides = array<i32>} : memref<128x128xf32, #tpu.memory_space<vmem>>, vector<1x16xf32>,
        %get3A_203 = arith.index_cast %add3A_127 : i32 to index
        %get3A_204 = arith.constant 112 : index
        %get3A_205 = tpu.vector_load %arg12[%get3A_203, %get3A_204] {strides = array<i32>} : memref<128x128xf32, #tpu.memory_space<vmem>>, vector<1x16xf32>,
        %get3A_206 = vector.shape_cast %get3A_205 : vector<1x16xf32> to vector<16xf32>
        %mul3A_207 = arith.mulf %get3A_206, %gather3A_132 : vector<16xf32>
        %swap3A_208 = arith.index_cast %add3A_127 : i32 to index
        %swap3A_209 = arith.constant 112 : index
        %swap3A_210 = tpu.vector_load %arg12[%swap3A_208, %swap3A_209] {strides = array<i32>} : memref<128x128xf32, #tpu.memory_space<vmem>>, vector<1x16xf32>,
        %swap3A_211 = vector.shape_cast %swap3A_210 : vector<1x16xf32> to vector<16xf32>
        %swap3A_212 = vector.shape_cast %mul3A_207 : vector<16xf32> to vector<1x16xf32>
        tpu.vector_store %arg12[%swap3A_208, %swap3A_209], %swap3A_212 {strides = array<i32>} : memref<128x128xf32, #tpu.memory_space<vmem>>, vector<1x16xf32>,
        %mul3A_213 = arith.constant 16 : i32
        %mul3A_214 = arith.muli %scan3A_33, %mul3A_213 : i32
        %add3A_215 = arith.constant 2 : i32
        %add3A_216 = arith.addi %mul3A_214, %add3A_215 : i32
        %broadcast_in_dim3A_217 = arith.constant 2 : i32
        %broadcast_in_dim3A_218 = vector.broadcast %broadcast_in_dim3A_217 : i32 to vector<16xi32>
        %broadcast_in_dim3A_219 = vector.shape_cast %broadcast_in_dim3A_218 : vector<16xi32> to vector<16x1xi32>
        %gather3A_220 = vector.shape_cast %broadcast_in_dim3A_219 : vector<16x1xi32> to vector<16xi32>
        %gather3A_221 = tpu.dynamic_gather %get3A_38[%gather3A_220] in [0] : vector<16xf32>, vector<16xi32> -> vector<16xf32>
        %get3A_222 = arith.index_cast %add3A_216 : i32 to index
        %get3A_223 = arith.constant 0 : index
        %get3A_224 = tpu.vector_load %arg12[%get3A_222, %get3A_223] {strides = array<i32>} : memref<128x128xf32, #tpu.memory_space<vmem>>, vector<1x16xf32>,
        %get3A_225 = vector.shape_cast %get3A_224 : vector<1x16xf32> to vector<16xf32>
        %mul3A_226 = arith.mulf %get3A_225, %gather3A_221 : vector<16xf32>
        %swap3A_227 = arith.index_cast %add3A_216 : i32 to index
        %swap3A_228 = arith.constant 0 : index
        %swap3A_229 = tpu.vector_load %arg12[%swap3A_227, %swap3A_228] {strides = array<i32>} : memref<128x128xf32, #tpu.memory_space<vmem>>, vector<1x16xf32>,
        %swap3A_230 = vector.shape_cast %swap3A_229 : vector<1x16xf32> to vector<16xf32>
        %swap3A_231 = vector.shape_cast %mul3A_226 : vector<16xf32> to vector<1x16xf32>
        tpu.vector_store %arg12[%swap3A_227, %swap3A_228], %swap3A_231 {strides = array<i32>} : memref<128x128xf32, #tpu.memory_space<vmem>>, vector<1x16xf32>,
        %get3A_232 = arith.index_cast %add3A_216 : i32 to index
        %get3A_233 = arith.constant 16 : index
        %get3A_234 = tpu.vector_load %arg12[%get3A_232, %get3A_233] {strides = array<i32>} : memref<128x128xf32, #tpu.memory_space<vmem>>, vector<1x16xf32>,
        %get3A_235 = vector.shape_cast %get3A_234 : vector<1x16xf32> to vector<16xf32>
        %mul3A_236 = arith.mulf %get3A_235, %gather3A_221 : vector<16xf32>
        %swap3A_237 = arith.index_cast %add3A_216 : i32 to index
        %swap3A_238 = arith.constant 16 : index
        %swap3A_239 = tpu.vector_load %arg12[%swap3A_237, %swap3A_238] {strides = array<i32>} : memref<128x128xf32, #tpu.memory_space<vmem>>, vector<1x16xf32>,
        %swap3A_240 = vector.shape_cast %swap3A_239 : vector<1x16xf32> to vector<16xf32>
        %swap3A_241 = vector.shape_cast %mul3A_236 : vector<16xf32> to vector<1x16xf32>
        tpu.vector_store %arg12[%swap3A_237, %swap3A_238], %swap3A_241 {strides = array<i32>} : memref<128x128xf32, #tpu.memory_space<vmem>>, vector<1x16xf32>,
        %get3A_242 = arith.index_cast %add3A_216 : i32 to index
        %get3A_243 = arith.constant 32 : index
        %get3A_244 = tpu.vector_load %arg12[%get3A_242, %get3A_243] {strides = array<i32>} : memref<128x128xf32, #tpu.memory_space<vmem>>, vector<1x16xf32>,
        %get3A_245 = vector.shape_cast %get3A_244 : vector<1x16xf32> to vector<16xf32>
        %mul3A_246 = arith.mulf %get3A_245, %gather3A_221 : vector<16xf32>
        %swap3A_247 = arith.index_cast %add3A_216 : i32 to index
        %swap3A_248 = arith.constant 32 : index
        %swap3A_249 = tpu.vector_load %arg12[%swap3A_247, %swap3A_248] {strides = array<i32>} : memref<128x128xf32, #tpu.memory_space<vmem>>, vector<1x16xf32>,
        %swap3A_250 = vector.shape_cast %swap3A_249 : vector<1x16xf32> to vector<16xf32>
        %swap3A_251 = vector.shape_cast %mul3A_246 : vector<16xf32> to vector<1x16xf32>
        tpu.vector_store %arg12[%swap3A_247, %swap3A_248], %swap3A_251 {strides = array<i32>} : memref<128x128xf32, #tpu.memory_space<vmem>>, vector<1x16xf32>,
        %get3A_252 = arith.index_cast %add3A_216 : i32 to index
        %get3A_253 = arith.constant 48 : index
        %get3A_254 = tpu.vector_load %arg12[%get3A_252, %get3A_253] {strides = array<i32>} : memref<128x128xf32, #tpu.memory_space<vmem>>, vector<1x16xf32>,
        %get3A_255 = vector.shape_cast %get3A_254 : vector<1x16xf32> to vector<16xf32>
        %mul3A_256 = arith.mulf %get3A_255, %gather3A_221 : vector<16xf32>
        %swap3A_257 = arith.index_cast %add3A_216 : i32 to index
        %swap3A_258 = arith.constant 48 : index
        %swap3A_259 = tpu.vector_load %arg12[%swap3A_257, %swap3A_258] {strides = array<i32>} : memref<128x128xf32, #tpu.memory_space<vmem>>, vector<1x16xf32>,
        %swap3A_260 = vector.shape_cast %swap3A_259 : vector<1x16xf32> to vector<16xf32>
        %swap3A_261 = vector.shape_cast %mul3A_256 : vector<16xf32> to vector<1x16xf32>
        tpu.vector_store %arg12[%swap3A_257, %swap3A_258], %swap3A_261 {strides = array<i32>} : memref<128x128xf32, #tpu.memory_space<vmem>>, vector<1x16xf32>,
        %get3A_262 = arith.index_cast %add3A_216 : i32 to index
        %get3A_263 = arith.constant 64 : index
        %get3A_264 = tpu.vector_load %arg12[%get3A_262, %get3A_263] {strides = array<i32>} : memref<128x128xf32, #tpu.memory_space<vmem>>, vector<1x16xf32>,
        %get3A_265 = vector.shape_cast %get3A_264 : vector<1x16xf32> to vector<16xf32>
        %mul3A_266 = arith.mulf %get3A_265, %gather3A_221 : vector<16xf32>
        %swap3A_267 = arith.index_cast %add3A_216 : i32 to index
        %swap3A_268 = arith.constant 64 : index
        %swap3A_269 = tpu.vector_load %arg12[%swap3A_267, %swap3A_268] {strides = array<i32>} : memref<128x128xf32, #tpu.memory_space<vmem>>, vector<1x16xf32>,
        %swap3A_270 = vector.shape_cast %swap3A_269 : vector<1x16xf32> to vector<16xf32>
        %swap3A_271 = vector.shape_cast %mul3A_266 : vector<16xf32> to vector<1x16xf32>
        tpu.vector_store %arg12[%swap3A_267, %swap3A_268], %swap3A_271 {strides = array<i32>} : memref<128x128xf32, #tpu.memory_space<vmem>>, vector<1x16xf32>,
        %get3A_272 = arith.index_cast %add3A_216 : i32 to index
        %get3A_273 = arith.constant 80 : index
        %get3A_274 = tpu.vector_load %arg12[%get3A_272, %get3A_273] {strides = array<i32>} : memref<128x128xf32, #tpu.memory_space<vmem>>, vector<1x16xf32>,
        %get3A_275 = vector.shape_cast %get3A_274 : vector<1x16xf32> to vector<16xf32>
        %mul3A_276 = arith.mulf %get3A_275, %gather3A_221 : vector<16xf32>
        %swap3A_277 = arith.index_cast %add3A_216 : i32 to index
        %swap3A_278 = arith.constant 80 : index
        %swap3A_279 = tpu.vector_load %arg12[%swap3A_277, %swap3A_278] {strides = array<i32>} : memref<128x128xf32, #tpu.memory_space<vmem>>, vector<1x16xf32>,
        %swap3A_280 = vector.shape_cast %swap3A_279 : vector<1x16xf32> to vector<16xf32>
        %swap3A_281 = vector.shape_cast %mul3A_276 : vector<16xf32> to vector<1x16xf32>
        tpu.vector_store %arg12[%swap3A_277, %swap3A_278], %swap3A_281 {strides = array<i32>} : memref<128x128xf32, #tpu.memory_space<vmem>>, vector<1x16xf32>,
        %get3A_282 = arith.index_cast %add3A_216 : i32 to index
        %get3A_283 = arith.constant 96 : index
        %get3A_284 = tpu.vector_load %arg12[%get3A_282, %get3A_283] {strides = array<i32>} : memref<128x128xf32, #tpu.memory_space<vmem>>, vector<1x16xf32>,
        %get3A_285 = vector.shape_cast %get3A_284 : vector<1x16xf32> to vector<16xf32>
        %mul3A_286 = arith.mulf %get3A_285, %gather3A_221 : vector<16xf32>
        %swap3A_287 = arith.index_cast %add3A_216 : i32 to index
        %swap3A_288 = arith.constant 96 : index
        %swap3A_289 = tpu.vector_load %arg12[%swap3A_287, %swap3A_288] {strides = array<i32>} : memref<128x128xf32, #tpu.memory_space<vmem>>, vector<1x16xf32>,
        %swap3A_290 = vector.shape_cast %swap3A_289 : vector<1x16xf32> to vector<16xf32>
        %swap3A_291 = vector.shape_cast %mul3A_286 : vector<16xf32> to vector<1x16xf32>
        tpu.vector_store %arg12[%swap3A_287, %swap3A_288], %swap3A_291 {strides = array<i32>} : memref<128x128xf32, #tpu.memory_space<vmem>>, vector<1x16xf32>,
        %get3A_292 = arith.index_cast %add3A_216 : i32 to index
        %get3A_293 = arith.constant 112 : index
        %get3A_294 = tpu.vector_load %arg12[%get3A_292, %get3A_293] {strides = array<i32>} : memref<128x128xf32, #tpu.memory_space<vmem>>, vector<1x16xf32>,
        %get3A_295 = vector.shape_cast %get3A_294 : vector<1x16xf32> to vector<16xf32>
        %mul3A_296 = arith.mulf %get3A_295, %gather3A_221 : vector<16xf32>
        %swap3A_297 = arith.index_cast %add3A_216 : i32 to index
        %swap3A_298 = arith.constant 112 : index
        %swap3A_299 = tpu.vector_load %arg12[%swap3A_297, %swap3A_298] {strides = array<i32>} : memref<128x128xf32, #tpu.memory_space<vmem>>, vector<1x16xf32>,
        %swap3A_300 = vector.shape_cast %swap3A_299 : vector<1x16xf32> to vector<16xf32>
        %swap3A_301 = vector.shape_cast %mul3A_296 : vector<16xf32> to vector<1x16xf32>
        tpu.vector_store %arg12[%swap3A_297, %swap3A_298], %swap3A_301 {strides = array<i32>} : memref<128x128xf32, #tpu.memory_space<vmem>>, vector<1x16xf32>,
        %mul3A_302 = arith.constant 16 : i32
        %mul3A_303 = arith.muli %scan3A_33, %mul3A_302 : i32
        %add3A_304 = arith.constant 3 : i32
        %add3A_305 = arith.addi %mul3A_303, %add3A_304 : i32
        %broadcast_in_dim3A_306 = arith.constant 3 : i32
        %broadcast_in_dim3A_307 = vector.broadcast %broadcast_in_dim3A_306 : i32 to vector<16xi32>
        %broadcast_in_dim3A_308 = vector.shape_cast %broadcast_in_dim3A_307 : vector<16xi32> to vector<16x1xi32>
        %gather3A_309 = vector.shape_cast %broadcast_in_dim3A_308 : vector<16x1xi32> to vector<16xi32>
        %gather3A_310 = tpu.dynamic_gather %get3A_38[%gather3A_309] in [0] : vector<16xf32>, vector<16xi32> -> vector<16xf32>
        %get3A_311 = arith.index_cast %add3A_305 : i32 to index
        %get3A_312 = arith.constant 0 : index
        %get3A_313 = tpu.vector_load %arg12[%get3A_311, %get3A_312] {strides = array<i32>} : memref<128x128xf32, #tpu.memory_space<vmem>>, vector<1x16xf32>,
        %get3A_314 = vector.shape_cast %get3A_313 : vector<1x16xf32> to vector<16xf32>
        %mul3A_315 = arith.mulf %get3A_314, %gather3A_310 : vector<16xf32>
        %swap3A_316 = arith.index_cast %add3A_305 : i32 to index
        %swap3A_317 = arith.constant 0 : index
        %swap3A_318 = tpu.vector_load %arg12[%swap3A_316, %swap3A_317] {strides = array<i32>} : memref<128x128xf32, #tpu.memory_space<vmem>>, vector<1x16xf32>,
        %swap3A_319 = vector.shape_cast %swap3A_318 : vector<1x16xf32> to vector<16xf32>
        %swap3A_320 = vector.shape_cast %mul3A_315 : vector<16xf32> to vector<1x16xf32>
        tpu.vector_store %arg12[%swap3A_316, %swap3A_317], %swap3A_320 {strides = array<i32>} : memref<128x128xf32, #tpu.memory_space<vmem>>, vector<1x16xf32>,
        %get3A_321 = arith.index_cast %add3A_305 : i32 to index
        %get3A_322 = arith.constant 16 : index
        %get3A_323 = tpu.vector_load %arg12[%get3A_321, %get3A_322] {strides = array<i32>} : memref<128x128xf32, #tpu.memory_space<vmem>>, vector<1x16xf32>,
        %get3A_324 = vector.shape_cast %get3A_323 : vector<1x16xf32> to vector<16xf32>
        %mul3A_325 = arith.mulf %get3A_324, %gather3A_310 : vector<16xf32>
        %swap3A_326 = arith.index_cast %add3A_305 : i32 to index
        %swap3A_327 = arith.constant 16 : index
        %swap3A_328 = tpu.vector_load %arg12[%swap3A_326, %swap3A_327] {strides = array<i32>} : memref<128x128xf32, #tpu.memory_space<vmem>>, vector<1x16xf32>,
        %swap3A_329 = vector.shape_cast %swap3A_328 : vector<1x16xf32> to vector<16xf32>
        %swap3A_330 = vector.shape_cast %mul3A_325 : vector<16xf32> to vector<1x16xf32>
        tpu.vector_store %arg12[%swap3A_326, %swap3A_327], %swap3A_330 {strides = array<i32>} : memref<128x128xf32, #tpu.memory_space<vmem>>, vector<1x16xf32>,
        %get3A_331 = arith.index_cast %add3A_305 : i32 to index
        %get3A_332 = arith.constant 32 : index
        %get3A_333 = tpu.vector_load %arg12[%get3A_331, %get3A_332] {strides = array<i32>} : memref<128x128xf32, #tpu.memory_space<vmem>>, vector<1x16xf32>,
        %get3A_334 = vector.shape_cast %get3A_333 : vector<1x16xf32> to vector<16xf32>
        %mul3A_335 = arith.mulf %get3A_334, %gather3A_310 : vector<16xf32>
        %swap3A_336 = arith.index_cast %add3A_305 : i32 to index
        %swap3A_337 = arith.constant 32 : index
        %swap3A_338 = tpu.vector_load %arg12[%swap3A_336, %swap3A_337] {strides = array<i32>} : memref<128x128xf32, #tpu.memory_space<vmem>>, vector<1x16xf32>,
        %swap3A_339 = vector.shape_cast %swap3A_338 : vector<1x16xf32> to vector<16xf32>
        %swap3A_340 = vector.shape_cast %mul3A_335 : vector<16xf32> to vector<1x16xf32>
        tpu.vector_store %arg12[%swap3A_336, %swap3A_337], %swap3A_340 {strides = array<i32>} : memref<128x128xf32, #tpu.memory_space<vmem>>, vector<1x16xf32>,
        %get3A_341 = arith.index_cast %add3A_305 : i32 to index
        %get3A_342 = arith.constant 48 : index
        %get3A_343 = tpu.vector_load %arg12[%get3A_341, %get3A_342] {strides = array<i32>} : memref<128x128xf32, #tpu.memory_space<vmem>>, vector<1x16xf32>,
        %get3A_344 = vector.shape_cast %get3A_343 : vector<1x16xf32> to vector<16xf32>
        %mul3A_345 = arith.mulf %get3A_344, %gather3A_310 : vector<16xf32>
        %swap3A_346 = arith.index_cast %add3A_305 : i32 to index
        %swap3A_347 = arith.constant 48 : index
        %swap3A_348 = tpu.vector_load %arg12[%swap3A_346, %swap3A_347] {strides = array<i32>} : memref<128x128xf32, #tpu.memory_space<vmem>>, vector<1x16xf32>,
        %swap3A_349 = vector.shape_cast %swap3A_348 : vector<1x16xf32> to vector<16xf32>
        %swap3A_350 = vector.shape_cast %mul3A_345 : vector<16xf32> to vector<1x16xf32>
        tpu.vector_store %arg12[%swap3A_346, %swap3A_347], %swap3A_350 {strides = array<i32>} : memref<128x128xf32, #tpu.memory_space<vmem>>, vector<1x16xf32>,
        %get3A_351 = arith.index_cast %add3A_305 : i32 to index
        %get3A_352 = arith.constant 64 : index
        %get3A_353 = tpu.vector_load %arg12[%get3A_351, %get3A_352] {strides = array<i32>} : memref<128x128xf32, #tpu.memory_space<vmem>>, vector<1x16xf32>,
        %get3A_354 = vector.shape_cast %get3A_353 : vector<1x16xf32> to vector<16xf32>
        %mul3A_355 = arith.mulf %get3A_354, %gather3A_310 : vector<16xf32>
        %swap3A_356 = arith.index_cast %add3A_305 : i32 to index
        %swap3A_357 = arith.constant 64 : index
        %swap3A_358 = tpu.vector_load %arg12[%swap3A_356, %swap3A_357] {strides = array<i32>} : memref<128x128xf32, #tpu.memory_space<vmem>>, vector<1x16xf32>,
        %swap3A_359 = vector.shape_cast %swap3A_358 : vector<1x16xf32> to vector<16xf32>
        %swap3A_360 = vector.shape_cast %mul3A_355 : vector<16xf32> to vector<1x16xf32>
        tpu.vector_store %arg12[%swap3A_356, %swap3A_357], %swap3A_360 {strides = array<i32>} : memref<128x128xf32, #tpu.memory_space<vmem>>, vector<1x16xf32>,
        %get3A_361 = arith.index_cast %add3A_305 : i32 to index
        %get3A_362 = arith.constant 80 : index
        %get3A_363 = tpu.vector_load %arg12[%get3A_361, %get3A_362] {strides = array<i32>} : memref<128x128xf32, #tpu.memory_space<vmem>>, vector<1x16xf32>,
        %get3A_364 = vector.shape_cast %get3A_363 : vector<1x16xf32> to vector<16xf32>
        %mul3A_365 = arith.mulf %get3A_364, %gather3A_310 : vector<16xf32>
        %swap3A_366 = arith.index_cast %add3A_305 : i32 to index
        %swap3A_367 = arith.constant 80 : index
        %swap3A_368 = tpu.vector_load %arg12[%swap3A_366, %swap3A_367] {strides = array<i32>} : memref<128x128xf32, #tpu.memory_space<vmem>>, vector<1x16xf32>,
        %swap3A_369 = vector.shape_cast %swap3A_368 : vector<1x16xf32> to vector<16xf32>
        %swap3A_370 = vector.shape_cast %mul3A_365 : vector<16xf32> to vector<1x16xf32>
        tpu.vector_store %arg12[%swap3A_366, %swap3A_367], %swap3A_370 {strides = array<i32>} : memref<128x128xf32, #tpu.memory_space<vmem>>, vector<1x16xf32>,
        %get3A_371 = arith.index_cast %add3A_305 : i32 to index
        %get3A_372 = arith.constant 96 : index
        %get3A_373 = tpu.vector_load %arg12[%get3A_371, %get3A_372] {strides = array<i32>} : memref<128x128xf32, #tpu.memory_space<vmem>>, vector<1x16xf32>,
        %get3A_374 = vector.shape_cast %get3A_373 : vector<1x16xf32> to vector<16xf32>
        %mul3A_375 = arith.mulf %get3A_374, %gather3A_310 : vector<16xf32>
        %swap3A_376 = arith.index_cast %add3A_305 : i32 to index
        %swap3A_377 = arith.constant 96 : index
        %swap3A_378 = tpu.vector_load %arg12[%swap3A_376, %swap3A_377] {strides = array<i32>} : memref<128x128xf32, #tpu.memory_space<vmem>>, vector<1x16xf32>,
        %swap3A_379 = vector.shape_cast %swap3A_378 : vector<1x16xf32> to vector<16xf32>
        %swap3A_380 = vector.shape_cast %mul3A_375 : vector<16xf32> to vector<1x16xf32>
        tpu.vector_store %arg12[%swap3A_376, %swap3A_377], %swap3A_380 {strides = array<i32>} : memref<128x128xf32, #tpu.memory_space<vmem>>, vector<1x16xf32>,
        %get3A_381 = arith.index_cast %add3A_305 : i32 to index
        %get3A_382 = arith.constant 112 : index
        %get3A_383 = tpu.vector_load %arg12[%get3A_381, %get3A_382] {strides = array<i32>} : memref<128x128xf32, #tpu.memory_space<vmem>>, vector<1x16xf32>,
        %get3A_384 = vector.shape_cast %get3A_383 : vector<1x16xf32> to vector<16xf32>
        %mul3A_385 = arith.mulf %get3A_384, %gather3A_310 : vector<16xf32>
        %swap3A_386 = arith.index_cast %add3A_305 : i32 to index
        %swap3A_387 = arith.constant 112 : index
        %swap3A_388 = tpu.vector_load %arg12[%swap3A_386, %swap3A_387] {strides = array<i32>} : memref<128x128xf32, #tpu.memory_space<vmem>>, vector<1x16xf32>,
        %swap3A_389 = vector.shape_cast %swap3A_388 : vector<1x16xf32> to vector<16xf32>
        %swap3A_390 = vector.shape_cast %mul3A_385 : vector<16xf32> to vector<1x16xf32>
        tpu.vector_store %arg12[%swap3A_386, %swap3A_387], %swap3A_390 {strides = array<i32>} : memref<128x128xf32, #tpu.memory_space<vmem>>, vector<1x16xf32>,
        %mul3A_391 = arith.constant 16 : i32
        %mul3A_392 = arith.muli %scan3A_33, %mul3A_391 : i32
        %add3A_393 = arith.constant 4 : i32
        %add3A_394 = arith.addi %mul3A_392, %add3A_393 : i32
        %broadcast_in_dim3A_395 = arith.constant 4 : i32
        %broadcast_in_dim3A_396 = vector.broadcast %broadcast_in_dim3A_395 : i32 to vector<16xi32>
        %broadcast_in_dim3A_397 = vector.shape_cast %broadcast_in_dim3A_396 : vector<16xi32> to vector<16x1xi32>
        %gather3A_398 = vector.shape_cast %broadcast_in_dim3A_397 : vector<16x1xi32> to vector<16xi32>
        %gather3A_399 = tpu.dynamic_gather %get3A_38[%gather3A_398] in [0] : vector<16xf32>, vector<16xi32> -> vector<16xf32>
        %get3A_400 = arith.index_cast %add3A_394 : i32 to index
        %get3A_401 = arith.constant 0 : index
        %get3A_402 = tpu.vector_load %arg12[%get3A_400, %get3A_401] {strides = array<i32>} : memref<128x128xf32, #tpu.memory_space<vmem>>, vector<1x16xf32>,
        %get3A_403 = vector.shape_cast %get3A_402 : vector<1x16xf32> to vector<16xf32>
        %mul3A_404 = arith.mulf %get3A_403, %gather3A_399 : vector<16xf32>
        %swap3A_405 = arith.index_cast %add3A_394 : i32 to index
        %swap3A_406 = arith.constant 0 : index
        %swap3A_407 = tpu.vector_load %arg12[%swap3A_405, %swap3A_406] {strides = array<i32>} : memref<128x128xf32, #tpu.memory_space<vmem>>, vector<1x16xf32>,
        %swap3A_408 = vector.shape_cast %swap3A_407 : vector<1x16xf32> to vector<16xf32>
        %swap3A_409 = vector.shape_cast %mul3A_404 : vector<16xf32> to vector<1x16xf32>
        tpu.vector_store %arg12[%swap3A_405, %swap3A_406], %swap3A_409 {strides = array<i32>} : memref<128x128xf32, #tpu.memory_space<vmem>>, vector<1x16xf32>,
        %get3A_410 = arith.index_cast %add3A_394 : i32 to index
        %get3A_411 = arith.constant 16 : index
        %get3A_412 = tpu.vector_load %arg12[%get3A_410, %get3A_411] {strides = array<i32>} : memref<128x128xf32, #tpu.memory_space<vmem>>, vector<1x16xf32>,
        %get3A_413 = vector.shape_cast %get3A_412 : vector<1x16xf32> to vector<16xf32>
        %mul3A_414 = arith.mulf %get3A_413, %gather3A_399 : vector<16xf32>
        %swap3A_415 = arith.index_cast %add3A_394 : i32 to index
        %swap3A_416 = arith.constant 16 : index
        %swap3A_417 = tpu.vector_load %arg12[%swap3A_415, %swap3A_416] {strides = array<i32>} : memref<128x128xf32, #tpu.memory_space<vmem>>, vector<1x16xf32>,
        %swap3A_418 = vector.shape_cast %swap3A_417 : vector<1x16xf32> to vector<16xf32>
        %swap3A_419 = vector.shape_cast %mul3A_414 : vector<16xf32> to vector<1x16xf32>
        tpu.vector_store %arg12[%swap3A_415, %swap3A_416], %swap3A_419 {strides = array<i32>} : memref<128x128xf32, #tpu.memory_space<vmem>>, vector<1x16xf32>,
        %get3A_420 = arith.index_cast %add3A_394 : i32 to index
        %get3A_421 = arith.constant 32 : index
        %get3A_422 = tpu.vector_load %arg12[%get3A_420, %get3A_421] {strides = array<i32>} : memref<128x128xf32, #tpu.memory_space<vmem>>, vector<1x16xf32>,
        %get3A_423 = vector.shape_cast %get3A_422 : vector<1x16xf32> to vector<16xf32>
        %mul3A_424 = arith.mulf %get3A_423, %gather3A_399 : vector<16xf32>
        %swap3A_425 = arith.index_cast %add3A_394 : i32 to index
        %swap3A_426 = arith.constant 32 : index
        %swap3A_427 = tpu.vector_load %arg12[%swap3A_425, %swap3A_426] {strides = array<i32>} : memref<128x128xf32, #tpu.memory_space<vmem>>, vector<1x16xf32>,
        %swap3A_428 = vector.shape_cast %swap3A_427 : vector<1x16xf32> to vector<16xf32>
        %swap3A_429 = vector.shape_cast %mul3A_424 : vector<16xf32> to vector<1x16xf32>
        tpu.vector_store %arg12[%swap3A_425, %swap3A_426], %swap3A_429 {strides = array<i32>} : memref<128x128xf32, #tpu.memory_space<vmem>>, vector<1x16xf32>,
        %get3A_430 = arith.index_cast %add3A_394 : i32 to index
        %get3A_431 = arith.constant 48 : index
        %get3A_432 = tpu.vector_load %arg12[%get3A_430, %get3A_431] {strides = array<i32>} : memref<128x128xf32, #tpu.memory_space<vmem>>, vector<1x16xf32>,
        %get3A_433 = vector.shape_cast %get3A_432 : vector<1x16xf32> to vector<16xf32>
        %mul3A_434 = arith.mulf %get3A_433, %gather3A_399 : vector<16xf32>
        %swap3A_435 = arith.index_cast %add3A_394 : i32 to index
        %swap3A_436 = arith.constant 48 : index
        %swap3A_437 = tpu.vector_load %arg12[%swap3A_435, %swap3A_436] {strides = array<i32>} : memref<128x128xf32, #tpu.memory_space<vmem>>, vector<1x16xf32>,
        %swap3A_438 = vector.shape_cast %swap3A_437 : vector<1x16xf32> to vector<16xf32>
        %swap3A_439 = vector.shape_cast %mul3A_434 : vector<16xf32> to vector<1x16xf32>
        tpu.vector_store %arg12[%swap3A_435, %swap3A_436], %swap3A_439 {strides = array<i32>} : memref<128x128xf32, #tpu.memory_space<vmem>>, vector<1x16xf32>,
        %get3A_440 = arith.index_cast %add3A_394 : i32 to index
        %get3A_441 = arith.constant 64 : index
        %get3A_442 = tpu.vector_load %arg12[%get3A_440, %get3A_441] {strides = array<i32>} : memref<128x128xf32, #tpu.memory_space<vmem>>, vector<1x16xf32>,
        %get3A_443 = vector.shape_cast %get3A_442 : vector<1x16xf32> to vector<16xf32>
        %mul3A_444 = arith.mulf %get3A_443, %gather3A_399 : vector<16xf32>
        %swap3A_445 = arith.index_cast %add3A_394 : i32 to index
        %swap3A_446 = arith.constant 64 : index
        %swap3A_447 = tpu.vector_load %arg12[%swap3A_445, %swap3A_446] {strides = array<i32>} : memref<128x128xf32, #tpu.memory_space<vmem>>, vector<1x16xf32>,
        %swap3A_448 = vector.shape_cast %swap3A_447 : vector<1x16xf32> to vector<16xf32>
        %swap3A_449 = vector.shape_cast %mul3A_444 : vector<16xf32> to vector<1x16xf32>
        tpu.vector_store %arg12[%swap3A_445, %swap3A_446], %swap3A_449 {strides = array<i32>} : memref<128x128xf32, #tpu.memory_space<vmem>>, vector<1x16xf32>,
        %get3A_450 = arith.index_cast %add3A_394 : i32 to index
        %get3A_451 = arith.constant 80 : index
        %get3A_452 = tpu.vector_load %arg12[%get3A_450, %get3A_451] {strides = array<i32>} : memref<128x128xf32, #tpu.memory_space<vmem>>, vector<1x16xf32>,
        %get3A_453 = vector.shape_cast %get3A_452 : vector<1x16xf32> to vector<16xf32>
        %mul3A_454 = arith.mulf %get3A_453, %gather3A_399 : vector<16xf32>
        %swap3A_455 = arith.index_cast %add3A_394 : i32 to index
        %swap3A_456 = arith.constant 80 : index
        %swap3A_457 = tpu.vector_load %arg12[%swap3A_455, %swap3A_456] {strides = array<i32>} : memref<128x128xf32, #tpu.memory_space<vmem>>, vector<1x16xf32>,
        %swap3A_458 = vector.shape_cast %swap3A_457 : vector<1x16xf32> to vector<16xf32>
        %swap3A_459 = vector.shape_cast %mul3A_454 : vector<16xf32> to vector<1x16xf32>
        tpu.vector_store %arg12[%swap3A_455, %swap3A_456], %swap3A_459 {strides = array<i32>} : memref<128x128xf32, #tpu.memory_space<vmem>>, vector<1x16xf32>,
        %get3A_460 = arith.index_cast %add3A_394 : i32 to index
        %get3A_461 = arith.constant 96 : index
        %get3A_462 = tpu.vector_load %arg12[%get3A_460, %get3A_461] {strides = array<i32>} : memref<128x128xf32, #tpu.memory_space<vmem>>, vector<1x16xf32>,
        %get3A_463 = vector.shape_cast %get3A_462 : vector<1x16xf32> to vector<16xf32>
        %mul3A_464 = arith.mulf %get3A_463, %gather3A_399 : vector<16xf32>
        %swap3A_465 = arith.index_cast %add3A_394 : i32 to index
        %swap3A_466 = arith.constant 96 : index
        %swap3A_467 = tpu.vector_load %arg12[%swap3A_465, %swap3A_466] {strides = array<i32>} : memref<128x128xf32, #tpu.memory_space<vmem>>, vector<1x16xf32>,
        %swap3A_468 = vector.shape_cast %swap3A_467 : vector<1x16xf32> to vector<16xf32>
        %swap3A_469 = vector.shape_cast %mul3A_464 : vector<16xf32> to vector<1x16xf32>
        tpu.vector_store %arg12[%swap3A_465, %swap3A_466], %swap3A_469 {strides = array<i32>} : memref<128x128xf32, #tpu.memory_space<vmem>>, vector<1x16xf32>,
        %get3A_470 = arith.index_cast %add3A_394 : i32 to index
        %get3A_471 = arith.constant 112 : index
        %get3A_472 = tpu.vector_load %arg12[%get3A_470, %get3A_471] {strides = array<i32>} : memref<128x128xf32, #tpu.memory_space<vmem>>, vector<1x16xf32>,
        %get3A_473 = vector.shape_cast %get3A_472 : vector<1x16xf32> to vector<16xf32>
        %mul3A_474 = arith.mulf %get3A_473, %gather3A_399 : vector<16xf32>
        %swap3A_475 = arith.index_cast %add3A_394 : i32 to index
        %swap3A_476 = arith.constant 112 : index
        %swap3A_477 = tpu.vector_load %arg12[%swap3A_475, %swap3A_476] {strides = array<i32>} : memref<128x128xf32, #tpu.memory_space<vmem>>, vector<1x16xf32>,
        %swap3A_478 = vector.shape_cast %swap3A_477 : vector<1x16xf32> to vector<16xf32>
        %swap3A_479 = vector.shape_cast %mul3A_474 : vector<16xf32> to vector<1x16xf32>
        tpu.vector_store %arg12[%swap3A_475, %swap3A_476], %swap3A_479 {strides = array<i32>} : memref<128x128xf32, #tpu.memory_space<vmem>>, vector<1x16xf32>,
        %mul3A_480 = arith.constant 16 : i32
        %mul3A_481 = arith.muli %scan3A_33, %mul3A_480 : i32
        %add3A_482 = arith.constant 5 : i32
        %add3A_483 = arith.addi %mul3A_481, %add3A_482 : i32
        %broadcast_in_dim3A_484 = arith.constant 5 : i32
        %broadcast_in_dim3A_485 = vector.broadcast %broadcast_in_dim3A_484 : i32 to vector<16xi32>
        %broadcast_in_dim3A_486 = vector.shape_cast %broadcast_in_dim3A_485 : vector<16xi32> to vector<16x1xi32>
        %gather3A_487 = vector.shape_cast %broadcast_in_dim3A_486 : vector<16x1xi32> to vector<16xi32>
        %gather3A_488 = tpu.dynamic_gather %get3A_38[%gather3A_487] in [0] : vector<16xf32>, vector<16xi32> -> vector<16xf32>
        %get3A_489 = arith.index_cast %add3A_483 : i32 to index
        %get3A_490 = arith.constant 0 : index
        %get3A_491 = tpu.vector_load %arg12[%get3A_489, %get3A_490] {strides = array<i32>} : memref<128x128xf32, #tpu.memory_space<vmem>>, vector<1x16xf32>,
        %get3A_492 = vector.shape_cast %get3A_491 : vector<1x16xf32> to vector<16xf32>
        %mul3A_493 = arith.mulf %get3A_492, %gather3A_488 : vector<16xf32>
        %swap3A_494 = arith.index_cast %add3A_483 : i32 to index
        %swap3A_495 = arith.constant 0 : index
        %swap3A_496 = tpu.vector_load %arg12[%swap3A_494, %swap3A_495] {strides = array<i32>} : memref<128x128xf32, #tpu.memory_space<vmem>>, vector<1x16xf32>,
        %swap3A_497 = vector.shape_cast %swap3A_496 : vector<1x16xf32> to vector<16xf32>
        %swap3A_498 = vector.shape_cast %mul3A_493 : vector<16xf32> to vector<1x16xf32>
        tpu.vector_store %arg12[%swap3A_494, %swap3A_495], %swap3A_498 {strides = array<i32>} : memref<128x128xf32, #tpu.memory_space<vmem>>, vector<1x16xf32>,
        %get3A_499 = arith.index_cast %add3A_483 : i32 to index
        %get3A_500 = arith.constant 16 : index
        %get3A_501 = tpu.vector_load %arg12[%get3A_499, %get3A_500] {strides = array<i32>} : memref<128x128xf32, #tpu.memory_space<vmem>>, vector<1x16xf32>,
        %get3A_502 = vector.shape_cast %get3A_501 : vector<1x16xf32> to vector<16xf32>
        %mul3A_503 = arith.mulf %get3A_502, %gather3A_488 : vector<16xf32>
        %swap3A_504 = arith.index_cast %add3A_483 : i32 to index
        %swap3A_505 = arith.constant 16 : index
        %swap3A_506 = tpu.vector_load %arg12[%swap3A_504, %swap3A_505] {strides = array<i32>} : memref<128x128xf32, #tpu.memory_space<vmem>>, vector<1x16xf32>,
        %swap3A_507 = vector.shape_cast %swap3A_506 : vector<1x16xf32> to vector<16xf32>
        %swap3A_508 = vector.shape_cast %mul3A_503 : vector<16xf32> to vector<1x16xf32>
        tpu.vector_store %arg12[%swap3A_504, %swap3A_505], %swap3A_508 {strides = array<i32>} : memref<128x128xf32, #tpu.memory_space<vmem>>, vector<1x16xf32>,
        %get3A_509 = arith.index_cast %add3A_483 : i32 to index
        %get3A_510 = arith.constant 32 : index
        %get3A_511 = tpu.vector_load %arg12[%get3A_509, %get3A_510] {strides = array<i32>} : memref<128x128xf32, #tpu.memory_space<vmem>>, vector<1x16xf32>,
        %get3A_512 = vector.shape_cast %get3A_511 : vector<1x16xf32> to vector<16xf32>
        %mul3A_513 = arith.mulf %get3A_512, %gather3A_488 : vector<16xf32>
        %swap3A_514 = arith.index_cast %add3A_483 : i32 to index
        %swap3A_515 = arith.constant 32 : index
        %swap3A_516 = tpu.vector_load %arg12[%swap3A_514, %swap3A_515] {strides = array<i32>} : memref<128x128xf32, #tpu.memory_space<vmem>>, vector<1x16xf32>,
        %swap3A_517 = vector.shape_cast %swap3A_516 : vector<1x16xf32> to vector<16xf32>
        %swap3A_518 = vector.shape_cast %mul3A_513 : vector<16xf32> to vector<1x16xf32>
        tpu.vector_store %arg12[%swap3A_514, %swap3A_515], %swap3A_518 {strides = array<i32>} : memref<128x128xf32, #tpu.memory_space<vmem>>, vector<1x16xf32>,
        %get3A_519 = arith.index_cast %add3A_483 : i32 to index
        %get3A_520 = arith.constant 48 : index
        %get3A_521 = tpu.vector_load %arg12[%get3A_519, %get3A_520] {strides = array<i32>} : memref<128x128xf32, #tpu.memory_space<vmem>>, vector<1x16xf32>,
        %get3A_522 = vector.shape_cast %get3A_521 : vector<1x16xf32> to vector<16xf32>
        %mul3A_523 = arith.mulf %get3A_522, %gather3A_488 : vector<16xf32>
        %swap3A_524 = arith.index_cast %add3A_483 : i32 to index
        %swap3A_525 = arith.constant 48 : index
        %swap3A_526 = tpu.vector_load %arg12[%swap3A_524, %swap3A_525] {strides = array<i32>} : memref<128x128xf32, #tpu.memory_space<vmem>>, vector<1x16xf32>,
        %swap3A_527 = vector.shape_cast %swap3A_526 : vector<1x16xf32> to vector<16xf32>
        %swap3A_528 = vector.shape_cast %mul3A_523 : vector<16xf32> to vector<1x16xf32>
        tpu.vector_store %arg12[%swap3A_524, %swap3A_525], %swap3A_528 {strides = array<i32>} : memref<128x128xf32, #tpu.memory_space<vmem>>, vector<1x16xf32>,
        %get3A_529 = arith.index_cast %add3A_483 : i32 to index
        %get3A_530 = arith.constant 64 : index
        %get3A_531 = tpu.vector_load %arg12[%get3A_529, %get3A_530] {strides = array<i32>} : memref<128x128xf32, #tpu.memory_space<vmem>>, vector<1x16xf32>,
        %get3A_532 = vector.shape_cast %get3A_531 : vector<1x16xf32> to vector<16xf32>
        %mul3A_533 = arith.mulf %get3A_532, %gather3A_488 : vector<16xf32>
        %swap3A_534 = arith.index_cast %add3A_483 : i32 to index
        %swap3A_535 = arith.constant 64 : index
        %swap3A_536 = tpu.vector_load %arg12[%swap3A_534, %swap3A_535] {strides = array<i32>} : memref<128x128xf32, #tpu.memory_space<vmem>>, vector<1x16xf32>,
        %swap3A_537 = vector.shape_cast %swap3A_536 : vector<1x16xf32> to vector<16xf32>
        %swap3A_538 = vector.shape_cast %mul3A_533 : vector<16xf32> to vector<1x16xf32>
        tpu.vector_store %arg12[%swap3A_534, %swap3A_535], %swap3A_538 {strides = array<i32>} : memref<128x128xf32, #tpu.memory_space<vmem>>, vector<1x16xf32>,
        %get3A_539 = arith.index_cast %add3A_483 : i32 to index
        %get3A_540 = arith.constant 80 : index
        %get3A_541 = tpu.vector_load %arg12[%get3A_539, %get3A_540] {strides = array<i32>} : memref<128x128xf32, #tpu.memory_space<vmem>>, vector<1x16xf32>,
        %get3A_542 = vector.shape_cast %get3A_541 : vector<1x16xf32> to vector<16xf32>
        %mul3A_543 = arith.mulf %get3A_542, %gather3A_488 : vector<16xf32>
        %swap3A_544 = arith.index_cast %add3A_483 : i32 to index
        %swap3A_545 = arith.constant 80 : index
        %swap3A_546 = tpu.vector_load %arg12[%swap3A_544, %swap3A_545] {strides = array<i32>} : memref<128x128xf32, #tpu.memory_space<vmem>>, vector<1x16xf32>,
        %swap3A_547 = vector.shape_cast %swap3A_546 : vector<1x16xf32> to vector<16xf32>
        %swap3A_548 = vector.shape_cast %mul3A_543 : vector<16xf32> to vector<1x16xf32>
        tpu.vector_store %arg12[%swap3A_544, %swap3A_545], %swap3A_548 {strides = array<i32>} : memref<128x128xf32, #tpu.memory_space<vmem>>, vector<1x16xf32>,
        %get3A_549 = arith.index_cast %add3A_483 : i32 to index
        %get3A_550 = arith.constant 96 : index
        %get3A_551 = tpu.vector_load %arg12[%get3A_549, %get3A_550] {strides = array<i32>} : memref<128x128xf32, #tpu.memory_space<vmem>>, vector<1x16xf32>,
        %get3A_552 = vector.shape_cast %get3A_551 : vector<1x16xf32> to vector<16xf32>
        %mul3A_553 = arith.mulf %get3A_552, %gather3A_488 : vector<16xf32>
        %swap3A_554 = arith.index_cast %add3A_483 : i32 to index
        %swap3A_555 = arith.constant 96 : index
        %swap3A_556 = tpu.vector_load %arg12[%swap3A_554, %swap3A_555] {strides = array<i32>} : memref<128x128xf32, #tpu.memory_space<vmem>>, vector<1x16xf32>,
        %swap3A_557 = vector.shape_cast %swap3A_556 : vector<1x16xf32> to vector<16xf32>
        %swap3A_558 = vector.shape_cast %mul3A_553 : vector<16xf32> to vector<1x16xf32>
        tpu.vector_store %arg12[%swap3A_554, %swap3A_555], %swap3A_558 {strides = array<i32>} : memref<128x128xf32, #tpu.memory_space<vmem>>, vector<1x16xf32>,
        %get3A_559 = arith.index_cast %add3A_483 : i32 to index
        %get3A_560 = arith.constant 112 : index
        %get3A_561 = tpu.vector_load %arg12[%get3A_559, %get3A_560] {strides = array<i32>} : memref<128x128xf32, #tpu.memory_space<vmem>>, vector<1x16xf32>,
        %get3A_562 = vector.shape_cast %get3A_561 : vector<1x16xf32> to vector<16xf32>
        %mul3A_563 = arith.mulf %get3A_562, %gather3A_488 : vector<16xf32>
        %swap3A_564 = arith.index_cast %add3A_483 : i32 to index
        %swap3A_565 = arith.constant 112 : index
        %swap3A_566 = tpu.vector_load %arg12[%swap3A_564, %swap3A_565] {strides = array<i32>} : memref<128x128xf32, #tpu.memory_space<vmem>>, vector<1x16xf32>,
        %swap3A_567 = vector.shape_cast %swap3A_566 : vector<1x16xf32> to vector<16xf32>
        %swap3A_568 = vector.shape_cast %mul3A_563 : vector<16xf32> to vector<1x16xf32>
        tpu.vector_store %arg12[%swap3A_564, %swap3A_565], %swap3A_568 {strides = array<i32>} : memref<128x128xf32, #tpu.memory_space<vmem>>, vector<1x16xf32>,
        %mul3A_569 = arith.constant 16 : i32
        %mul3A_570 = arith.muli %scan3A_33, %mul3A_569 : i32
        %add3A_571 = arith.constant 6 : i32
        %add3A_572 = arith.addi %mul3A_570, %add3A_571 : i32
        %broadcast_in_dim3A_573 = arith.constant 6 : i32
        %broadcast_in_dim3A_574 = vector.broadcast %broadcast_in_dim3A_573 : i32 to vector<16xi32>
        %broadcast_in_dim3A_575 = vector.shape_cast %broadcast_in_dim3A_574 : vector<16xi32> to vector<16x1xi32>
        %gather3A_576 = vector.shape_cast %broadcast_in_dim3A_575 : vector<16x1xi32> to vector<16xi32>
        %gather3A_577 = tpu.dynamic_gather %get3A_38[%gather3A_576] in [0] : vector<16xf32>, vector<16xi32> -> vector<16xf32>
        %get3A_578 = arith.index_cast %add3A_572 : i32 to index
        %get3A_579 = arith.constant 0 : index
        %get3A_580 = tpu.vector_load %arg12[%get3A_578, %get3A_579] {strides = array<i32>} : memref<128x128xf32, #tpu.memory_space<vmem>>, vector<1x16xf32>,
        %get3A_581 = vector.shape_cast %get3A_580 : vector<1x16xf32> to vector<16xf32>
        %mul3A_582 = arith.mulf %get3A_581, %gather3A_577 : vector<16xf32>
        %swap3A_583 = arith.index_cast %add3A_572 : i32 to index
        %swap3A_584 = arith.constant 0 : index
        %swap3A_585 = tpu.vector_load %arg12[%swap3A_583, %swap3A_584] {strides = array<i32>} : memref<128x128xf32, #tpu.memory_space<vmem>>, vector<1x16xf32>,
        %swap3A_586 = vector.shape_cast %swap3A_585 : vector<1x16xf32> to vector<16xf32>
        %swap3A_587 = vector.shape_cast %mul3A_582 : vector<16xf32> to vector<1x16xf32>
        tpu.vector_store %arg12[%swap3A_583, %swap3A_584], %swap3A_587 {strides = array<i32>} : memref<128x128xf32, #tpu.memory_space<vmem>>, vector<1x16xf32>,
        %get3A_588 = arith.index_cast %add3A_572 : i32 to index
        %get3A_589 = arith.constant 16 : index
        %get3A_590 = tpu.vector_load %arg12[%get3A_588, %get3A_589] {strides = array<i32>} : memref<128x128xf32, #tpu.memory_space<vmem>>, vector<1x16xf32>,
        %get3A_591 = vector.shape_cast %get3A_590 : vector<1x16xf32> to vector<16xf32>
        %mul3A_592 = arith.mulf %get3A_591, %gather3A_577 : vector<16xf32>
        %swap3A_593 = arith.index_cast %add3A_572 : i32 to index
        %swap3A_594 = arith.constant 16 : index
        %swap3A_595 = tpu.vector_load %arg12[%swap3A_593, %swap3A_594] {strides = array<i32>} : memref<128x128xf32, #tpu.memory_space<vmem>>, vector<1x16xf32>,
        %swap3A_596 = vector.shape_cast %swap3A_595 : vector<1x16xf32> to vector<16xf32>
        %swap3A_597 = vector.shape_cast %mul3A_592 : vector<16xf32> to vector<1x16xf32>
        tpu.vector_store %arg12[%swap3A_593, %swap3A_594], %swap3A_597 {strides = array<i32>} : memref<128x128xf32, #tpu.memory_space<vmem>>, vector<1x16xf32>,
        %get3A_598 = arith.index_cast %add3A_572 : i32 to index
        %get3A_599 = arith.constant 32 : index
        %get3A_600 = tpu.vector_load %arg12[%get3A_598, %get3A_599] {strides = array<i32>} : memref<128x128xf32, #tpu.memory_space<vmem>>, vector<1x16xf32>,
        %get3A_601 = vector.shape_cast %get3A_600 : vector<1x16xf32> to vector<16xf32>
        %mul3A_602 = arith.mulf %get3A_601, %gather3A_577 : vector<16xf32>
        %swap3A_603 = arith.index_cast %add3A_572 : i32 to index
        %swap3A_604 = arith.constant 32 : index
        %swap3A_605 = tpu.vector_load %arg12[%swap3A_603, %swap3A_604] {strides = array<i32>} : memref<128x128xf32, #tpu.memory_space<vmem>>, vector<1x16xf32>,
        %swap3A_606 = vector.shape_cast %swap3A_605 : vector<1x16xf32> to vector<16xf32>
        %swap3A_607 = vector.shape_cast %mul3A_602 : vector<16xf32> to vector<1x16xf32>
        tpu.vector_store %arg12[%swap3A_603, %swap3A_604], %swap3A_607 {strides = array<i32>} : memref<128x128xf32, #tpu.memory_space<vmem>>, vector<1x16xf32>,
        %get3A_608 = arith.index_cast %add3A_572 : i32 to index
        %get3A_609 = arith.constant 48 : index
        %get3A_610 = tpu.vector_load %arg12[%get3A_608, %get3A_609] {strides = array<i32>} : memref<128x128xf32, #tpu.memory_space<vmem>>, vector<1x16xf32>,
        %get3A_611 = vector.shape_cast %get3A_610 : vector<1x16xf32> to vector<16xf32>
        %mul3A_612 = arith.mulf %get3A_611, %gather3A_577 : vector<16xf32>
        %swap3A_613 = arith.index_cast %add3A_572 : i32 to index
        %swap3A_614 = arith.constant 48 : index
        %swap3A_615 = tpu.vector_load %arg12[%swap3A_613, %swap3A_614] {strides = array<i32>} : memref<128x128xf32, #tpu.memory_space<vmem>>, vector<1x16xf32>,
        %swap3A_616 = vector.shape_cast %swap3A_615 : vector<1x16xf32> to vector<16xf32>
        %swap3A_617 = vector.shape_cast %mul3A_612 : vector<16xf32> to vector<1x16xf32>
        tpu.vector_store %arg12[%swap3A_613, %swap3A_614], %swap3A_617 {strides = array<i32>} : memref<128x128xf32, #tpu.memory_space<vmem>>, vector<1x16xf32>,
        %get3A_618 = arith.index_cast %add3A_572 : i32 to index
        %get3A_619 = arith.constant 64 : index
        %get3A_620 = tpu.vector_load %arg12[%get3A_618, %get3A_619] {strides = array<i32>} : memref<128x128xf32, #tpu.memory_space<vmem>>, vector<1x16xf32>,
        %get3A_621 = vector.shape_cast %get3A_620 : vector<1x16xf32> to vector<16xf32>
        %mul3A_622 = arith.mulf %get3A_621, %gather3A_577 : vector<16xf32>
        %swap3A_623 = arith.index_cast %add3A_572 : i32 to index
        %swap3A_624 = arith.constant 64 : index
        %swap3A_625 = tpu.vector_load %arg12[%swap3A_623, %swap3A_624] {strides = array<i32>} : memref<128x128xf32, #tpu.memory_space<vmem>>, vector<1x16xf32>,
        %swap3A_626 = vector.shape_cast %swap3A_625 : vector<1x16xf32> to vector<16xf32>
        %swap3A_627 = vector.shape_cast %mul3A_622 : vector<16xf32> to vector<1x16xf32>
        tpu.vector_store %arg12[%swap3A_623, %swap3A_624], %swap3A_627 {strides = array<i32>} : memref<128x128xf32, #tpu.memory_space<vmem>>, vector<1x16xf32>,
        %get3A_628 = arith.index_cast %add3A_572 : i32 to index
        %get3A_629 = arith.constant 80 : index
        %get3A_630 = tpu.vector_load %arg12[%get3A_628, %get3A_629] {strides = array<i32>} : memref<128x128xf32, #tpu.memory_space<vmem>>, vector<1x16xf32>,
        %get3A_631 = vector.shape_cast %get3A_630 : vector<1x16xf32> to vector<16xf32>
        %mul3A_632 = arith.mulf %get3A_631, %gather3A_577 : vector<16xf32>
        %swap3A_633 = arith.index_cast %add3A_572 : i32 to index
        %swap3A_634 = arith.constant 80 : index
        %swap3A_635 = tpu.vector_load %arg12[%swap3A_633, %swap3A_634] {strides = array<i32>} : memref<128x128xf32, #tpu.memory_space<vmem>>, vector<1x16xf32>,
        %swap3A_636 = vector.shape_cast %swap3A_635 : vector<1x16xf32> to vector<16xf32>
        %swap3A_637 = vector.shape_cast %mul3A_632 : vector<16xf32> to vector<1x16xf32>
        tpu.vector_store %arg12[%swap3A_633, %swap3A_634], %swap3A_637 {strides = array<i32>} : memref<128x128xf32, #tpu.memory_space<vmem>>, vector<1x16xf32>,
        %get3A_638 = arith.index_cast %add3A_572 : i32 to index
        %get3A_639 = arith.constant 96 : index
        %get3A_640 = tpu.vector_load %arg12[%get3A_638, %get3A_639] {strides = array<i32>} : memref<128x128xf32, #tpu.memory_space<vmem>>, vector<1x16xf32>,
        %get3A_641 = vector.shape_cast %get3A_640 : vector<1x16xf32> to vector<16xf32>
        %mul3A_642 = arith.mulf %get3A_641, %gather3A_577 : vector<16xf32>
        %swap3A_643 = arith.index_cast %add3A_572 : i32 to index
        %swap3A_644 = arith.constant 96 : index
        %swap3A_645 = tpu.vector_load %arg12[%swap3A_643, %swap3A_644] {strides = array<i32>} : memref<128x128xf32, #tpu.memory_space<vmem>>, vector<1x16xf32>,
        %swap3A_646 = vector.shape_cast %swap3A_645 : vector<1x16xf32> to vector<16xf32>
        %swap3A_647 = vector.shape_cast %mul3A_642 : vector<16xf32> to vector<1x16xf32>
        tpu.vector_store %arg12[%swap3A_643, %swap3A_644], %swap3A_647 {strides = array<i32>} : memref<128x128xf32, #tpu.memory_space<vmem>>, vector<1x16xf32>,
        %get3A_648 = arith.index_cast %add3A_572 : i32 to index
        %get3A_649 = arith.constant 112 : index
        %get3A_650 = tpu.vector_load %arg12[%get3A_648, %get3A_649] {strides = array<i32>} : memref<128x128xf32, #tpu.memory_space<vmem>>, vector<1x16xf32>,
        %get3A_651 = vector.shape_cast %get3A_650 : vector<1x16xf32> to vector<16xf32>
        %mul3A_652 = arith.mulf %get3A_651, %gather3A_577 : vector<16xf32>
        %swap3A_653 = arith.index_cast %add3A_572 : i32 to index
        %swap3A_654 = arith.constant 112 : index
        %swap3A_655 = tpu.vector_load %arg12[%swap3A_653, %swap3A_654] {strides = array<i32>} : memref<128x128xf32, #tpu.memory_space<vmem>>, vector<1x16xf32>,
        %swap3A_656 = vector.shape_cast %swap3A_655 : vector<1x16xf32> to vector<16xf32>
        %swap3A_657 = vector.shape_cast %mul3A_652 : vector<16xf32> to vector<1x16xf32>
        tpu.vector_store %arg12[%swap3A_653, %swap3A_654], %swap3A_657 {strides = array<i32>} : memref<128x128xf32, #tpu.memory_space<vmem>>, vector<1x16xf32>,
        %mul3A_658 = arith.constant 16 : i32
        %mul3A_659 = arith.muli %scan3A_33, %mul3A_658 : i32
        %add3A_660 = arith.constant 7 : i32
        %add3A_661 = arith.addi %mul3A_659, %add3A_660 : i32
        %broadcast_in_dim3A_662 = arith.constant 7 : i32
        %broadcast_in_dim3A_663 = vector.broadcast %broadcast_in_dim3A_662 : i32 to vector<16xi32>
        %broadcast_in_dim3A_664 = vector.shape_cast %broadcast_in_dim3A_663 : vector<16xi32> to vector<16x1xi32>
        %gather3A_665 = vector.shape_cast %broadcast_in_dim3A_664 : vector<16x1xi32> to vector<16xi32>
        %gather3A_666 = tpu.dynamic_gather %get3A_38[%gather3A_665] in [0] : vector<16xf32>, vector<16xi32> -> vector<16xf32>
        %get3A_667 = arith.index_cast %add3A_661 : i32 to index
        %get3A_668 = arith.constant 0 : index
        %get3A_669 = tpu.vector_load %arg12[%get3A_667, %get3A_668] {strides = array<i32>} : memref<128x128xf32, #tpu.memory_space<vmem>>, vector<1x16xf32>,
        %get3A_670 = vector.shape_cast %get3A_669 : vector<1x16xf32> to vector<16xf32>
        %mul3A_671 = arith.mulf %get3A_670, %gather3A_666 : vector<16xf32>
        %swap3A_672 = arith.index_cast %add3A_661 : i32 to index
        %swap3A_673 = arith.constant 0 : index
        %swap3A_674 = tpu.vector_load %arg12[%swap3A_672, %swap3A_673] {strides = array<i32>} : memref<128x128xf32, #tpu.memory_space<vmem>>, vector<1x16xf32>,
        %swap3A_675 = vector.shape_cast %swap3A_674 : vector<1x16xf32> to vector<16xf32>
        %swap3A_676 = vector.shape_cast %mul3A_671 : vector<16xf32> to vector<1x16xf32>
        tpu.vector_store %arg12[%swap3A_672, %swap3A_673], %swap3A_676 {strides = array<i32>} : memref<128x128xf32, #tpu.memory_space<vmem>>, vector<1x16xf32>,
        %get3A_677 = arith.index_cast %add3A_661 : i32 to index
        %get3A_678 = arith.constant 16 : index
        %get3A_679 = tpu.vector_load %arg12[%get3A_677, %get3A_678] {strides = array<i32>} : memref<128x128xf32, #tpu.memory_space<vmem>>, vector<1x16xf32>,
        %get3A_680 = vector.shape_cast %get3A_679 : vector<1x16xf32> to vector<16xf32>
        %mul3A_681 = arith.mulf %get3A_680, %gather3A_666 : vector<16xf32>
        %swap3A_682 = arith.index_cast %add3A_661 : i32 to index
        %swap3A_683 = arith.constant 16 : index
        %swap3A_684 = tpu.vector_load %arg12[%swap3A_682, %swap3A_683] {strides = array<i32>} : memref<128x128xf32, #tpu.memory_space<vmem>>, vector<1x16xf32>,
        %swap3A_685 = vector.shape_cast %swap3A_684 : vector<1x16xf32> to vector<16xf32>
        %swap3A_686 = vector.shape_cast %mul3A_681 : vector<16xf32> to vector<1x16xf32>
        tpu.vector_store %arg12[%swap3A_682, %swap3A_683], %swap3A_686 {strides = array<i32>} : memref<128x128xf32, #tpu.memory_space<vmem>>, vector<1x16xf32>,
        %get3A_687 = arith.index_cast %add3A_661 : i32 to index
        %get3A_688 = arith.constant 32 : index
        %get3A_689 = tpu.vector_load %arg12[%get3A_687, %get3A_688] {strides = array<i32>} : memref<128x128xf32, #tpu.memory_space<vmem>>, vector<1x16xf32>,
        %get3A_690 = vector.shape_cast %get3A_689 : vector<1x16xf32> to vector<16xf32>
        %mul3A_691 = arith.mulf %get3A_690, %gather3A_666 : vector<16xf32>
        %swap3A_692 = arith.index_cast %add3A_661 : i32 to index
        %swap3A_693 = arith.constant 32 : index
        %swap3A_694 = tpu.vector_load %arg12[%swap3A_692, %swap3A_693] {strides = array<i32>} : memref<128x128xf32, #tpu.memory_space<vmem>>, vector<1x16xf32>,
        %swap3A_695 = vector.shape_cast %swap3A_694 : vector<1x16xf32> to vector<16xf32>
        %swap3A_696 = vector.shape_cast %mul3A_691 : vector<16xf32> to vector<1x16xf32>
        tpu.vector_store %arg12[%swap3A_692, %swap3A_693], %swap3A_696 {strides = array<i32>} : memref<128x128xf32, #tpu.memory_space<vmem>>, vector<1x16xf32>,
        %get3A_697 = arith.index_cast %add3A_661 : i32 to index
        %get3A_698 = arith.constant 48 : index
        %get3A_699 = tpu.vector_load %arg12[%get3A_697, %get3A_698] {strides = array<i32>} : memref<128x128xf32, #tpu.memory_space<vmem>>, vector<1x16xf32>,
        %get3A_700 = vector.shape_cast %get3A_699 : vector<1x16xf32> to vector<16xf32>
        %mul3A_701 = arith.mulf %get3A_700, %gather3A_666 : vector<16xf32>
        %swap3A_702 = arith.index_cast %add3A_661 : i32 to index
        %swap3A_703 = arith.constant 48 : index
        %swap3A_704 = tpu.vector_load %arg12[%swap3A_702, %swap3A_703] {strides = array<i32>} : memref<128x128xf32, #tpu.memory_space<vmem>>, vector<1x16xf32>,
        %swap3A_705 = vector.shape_cast %swap3A_704 : vector<1x16xf32> to vector<16xf32>
        %swap3A_706 = vector.shape_cast %mul3A_701 : vector<16xf32> to vector<1x16xf32>
        tpu.vector_store %arg12[%swap3A_702, %swap3A_703], %swap3A_706 {strides = array<i32>} : memref<128x128xf32, #tpu.memory_space<vmem>>, vector<1x16xf32>,
        %get3A_707 = arith.index_cast %add3A_661 : i32 to index
        %get3A_708 = arith.constant 64 : index
        %get3A_709 = tpu.vector_load %arg12[%get3A_707, %get3A_708] {strides = array<i32>} : memref<128x128xf32, #tpu.memory_space<vmem>>, vector<1x16xf32>,
        %get3A_710 = vector.shape_cast %get3A_709 : vector<1x16xf32> to vector<16xf32>
        %mul3A_711 = arith.mulf %get3A_710, %gather3A_666 : vector<16xf32>
        %swap3A_712 = arith.index_cast %add3A_661 : i32 to index
        %swap3A_713 = arith.constant 64 : index
        %swap3A_714 = tpu.vector_load %arg12[%swap3A_712, %swap3A_713] {strides = array<i32>} : memref<128x128xf32, #tpu.memory_space<vmem>>, vector<1x16xf32>,
        %swap3A_715 = vector.shape_cast %swap3A_714 : vector<1x16xf32> to vector<16xf32>
        %swap3A_716 = vector.shape_cast %mul3A_711 : vector<16xf32> to vector<1x16xf32>
        tpu.vector_store %arg12[%swap3A_712, %swap3A_713], %swap3A_716 {strides = array<i32>} : memref<128x128xf32, #tpu.memory_space<vmem>>, vector<1x16xf32>,
        %get3A_717 = arith.index_cast %add3A_661 : i32 to index
        %get3A_718 = arith.constant 80 : index
        %get3A_719 = tpu.vector_load %arg12[%get3A_717, %get3A_718] {strides = array<i32>} : memref<128x128xf32, #tpu.memory_space<vmem>>, vector<1x16xf32>,
        %get3A_720 = vector.shape_cast %get3A_719 : vector<1x16xf32> to vector<16xf32>
        %mul3A_721 = arith.mulf %get3A_720, %gather3A_666 : vector<16xf32>
        %swap3A_722 = arith.index_cast %add3A_661 : i32 to index
        %swap3A_723 = arith.constant 80 : index
        %swap3A_724 = tpu.vector_load %arg12[%swap3A_722, %swap3A_723] {strides = array<i32>} : memref<128x128xf32, #tpu.memory_space<vmem>>, vector<1x16xf32>,
        %swap3A_725 = vector.shape_cast %swap3A_724 : vector<1x16xf32> to vector<16xf32>
        %swap3A_726 = vector.shape_cast %mul3A_721 : vector<16xf32> to vector<1x16xf32>
        tpu.vector_store %arg12[%swap3A_722, %swap3A_723], %swap3A_726 {strides = array<i32>} : memref<128x128xf32, #tpu.memory_space<vmem>>, vector<1x16xf32>,
        %get3A_727 = arith.index_cast %add3A_661 : i32 to index
        %get3A_728 = arith.constant 96 : index
        %get3A_729 = tpu.vector_load %arg12[%get3A_727, %get3A_728] {strides = array<i32>} : memref<128x128xf32, #tpu.memory_space<vmem>>, vector<1x16xf32>,
        %get3A_730 = vector.shape_cast %get3A_729 : vector<1x16xf32> to vector<16xf32>
        %mul3A_731 = arith.mulf %get3A_730, %gather3A_666 : vector<16xf32>
        %swap3A_732 = arith.index_cast %add3A_661 : i32 to index
        %swap3A_733 = arith.constant 96 : index
        %swap3A_734 = tpu.vector_load %arg12[%swap3A_732, %swap3A_733] {strides = array<i32>} : memref<128x128xf32, #tpu.memory_space<vmem>>, vector<1x16xf32>,
        %swap3A_735 = vector.shape_cast %swap3A_734 : vector<1x16xf32> to vector<16xf32>
        %swap3A_736 = vector.shape_cast %mul3A_731 : vector<16xf32> to vector<1x16xf32>
        tpu.vector_store %arg12[%swap3A_732, %swap3A_733], %swap3A_736 {strides = array<i32>} : memref<128x128xf32, #tpu.memory_space<vmem>>, vector<1x16xf32>,
        %get3A_737 = arith.index_cast %add3A_661 : i32 to index
        %get3A_738 = arith.constant 112 : index
        %get3A_739 = tpu.vector_load %arg12[%get3A_737, %get3A_738] {strides = array<i32>} : memref<128x128xf32, #tpu.memory_space<vmem>>, vector<1x16xf32>,
        %get3A_740 = vector.shape_cast %get3A_739 : vector<1x16xf32> to vector<16xf32>
        %mul3A_741 = arith.mulf %get3A_740, %gather3A_666 : vector<16xf32>
        %swap3A_742 = arith.index_cast %add3A_661 : i32 to index
        %swap3A_743 = arith.constant 112 : index
        %swap3A_744 = tpu.vector_load %arg12[%swap3A_742, %swap3A_743] {strides = array<i32>} : memref<128x128xf32, #tpu.memory_space<vmem>>, vector<1x16xf32>,
        %swap3A_745 = vector.shape_cast %swap3A_744 : vector<1x16xf32> to vector<16xf32>
        %swap3A_746 = vector.shape_cast %mul3A_741 : vector<16xf32> to vector<1x16xf32>
        tpu.vector_store %arg12[%swap3A_742, %swap3A_743], %swap3A_746 {strides = array<i32>} : memref<128x128xf32, #tpu.memory_space<vmem>>, vector<1x16xf32>,
        %mul3A_747 = arith.constant 16 : i32
        %mul3A_748 = arith.muli %scan3A_33, %mul3A_747 : i32
        %add3A_749 = arith.constant 8 : i32
        %add3A_750 = arith.addi %mul3A_748, %add3A_749 : i32
        %broadcast_in_dim3A_751 = arith.constant 8 : i32
        %broadcast_in_dim3A_752 = vector.broadcast %broadcast_in_dim3A_751 : i32 to vector<16xi32>
        %broadcast_in_dim3A_753 = vector.shape_cast %broadcast_in_dim3A_752 : vector<16xi32> to vector<16x1xi32>
        %gather3A_754 = vector.shape_cast %broadcast_in_dim3A_753 : vector<16x1xi32> to vector<16xi32>
        %gather3A_755 = tpu.dynamic_gather %get3A_38[%gather3A_754] in [0] : vector<16xf32>, vector<16xi32> -> vector<16xf32>
        %get3A_756 = arith.index_cast %add3A_750 : i32 to index
        %get3A_757 = arith.constant 0 : index
        %get3A_758 = tpu.vector_load %arg12[%get3A_756, %get3A_757] {strides = array<i32>} : memref<128x128xf32, #tpu.memory_space<vmem>>, vector<1x16xf32>,
        %get3A_759 = vector.shape_cast %get3A_758 : vector<1x16xf32> to vector<16xf32>
        %mul3A_760 = arith.mulf %get3A_759, %gather3A_755 : vector<16xf32>
        %swap3A_761 = arith.index_cast %add3A_750 : i32 to index
        %swap3A_762 = arith.constant 0 : index
        %swap3A_763 = tpu.vector_load %arg12[%swap3A_761, %swap3A_762] {strides = array<i32>} : memref<128x128xf32, #tpu.memory_space<vmem>>, vector<1x16xf32>,
        %swap3A_764 = vector.shape_cast %swap3A_763 : vector<1x16xf32> to vector<16xf32>
        %swap3A_765 = vector.shape_cast %mul3A_760 : vector<16xf32> to vector<1x16xf32>
        tpu.vector_store %arg12[%swap3A_761, %swap3A_762], %swap3A_765 {strides = array<i32>} : memref<128x128xf32, #tpu.memory_space<vmem>>, vector<1x16xf32>,
        %get3A_766 = arith.index_cast %add3A_750 : i32 to index
        %get3A_767 = arith.constant 16 : index
        %get3A_768 = tpu.vector_load %arg12[%get3A_766, %get3A_767] {strides = array<i32>} : memref<128x128xf32, #tpu.memory_space<vmem>>, vector<1x16xf32>,
        %get3A_769 = vector.shape_cast %get3A_768 : vector<1x16xf32> to vector<16xf32>
        %mul3A_770 = arith.mulf %get3A_769, %gather3A_755 : vector<16xf32>
        %swap3A_771 = arith.index_cast %add3A_750 : i32 to index
        %swap3A_772 = arith.constant 16 : index
        %swap3A_773 = tpu.vector_load %arg12[%swap3A_771, %swap3A_772] {strides = array<i32>} : memref<128x128xf32, #tpu.memory_space<vmem>>, vector<1x16xf32>,
        %swap3A_774 = vector.shape_cast %swap3A_773 : vector<1x16xf32> to vector<16xf32>
        %swap3A_775 = vector.shape_cast %mul3A_770 : vector<16xf32> to vector<1x16xf32>
        tpu.vector_store %arg12[%swap3A_771, %swap3A_772], %swap3A_775 {strides = array<i32>} : memref<128x128xf32, #tpu.memory_space<vmem>>, vector<1x16xf32>,
        %get3A_776 = arith.index_cast %add3A_750 : i32 to index
        %get3A_777 = arith.constant 32 : index
        %get3A_778 = tpu.vector_load %arg12[%get3A_776, %get3A_777] {strides = array<i32>} : memref<128x128xf32, #tpu.memory_space<vmem>>, vector<1x16xf32>,
        %get3A_779 = vector.shape_cast %get3A_778 : vector<1x16xf32> to vector<16xf32>
        %mul3A_780 = arith.mulf %get3A_779, %gather3A_755 : vector<16xf32>
        %swap3A_781 = arith.index_cast %add3A_750 : i32 to index
        %swap3A_782 = arith.constant 32 : index
        %swap3A_783 = tpu.vector_load %arg12[%swap3A_781, %swap3A_782] {strides = array<i32>} : memref<128x128xf32, #tpu.memory_space<vmem>>, vector<1x16xf32>,
        %swap3A_784 = vector.shape_cast %swap3A_783 : vector<1x16xf32> to vector<16xf32>
        %swap3A_785 = vector.shape_cast %mul3A_780 : vector<16xf32> to vector<1x16xf32>
        tpu.vector_store %arg12[%swap3A_781, %swap3A_782], %swap3A_785 {strides = array<i32>} : memref<128x128xf32, #tpu.memory_space<vmem>>, vector<1x16xf32>,
        %get3A_786 = arith.index_cast %add3A_750 : i32 to index
        %get3A_787 = arith.constant 48 : index
        %get3A_788 = tpu.vector_load %arg12[%get3A_786, %get3A_787] {strides = array<i32>} : memref<128x128xf32, #tpu.memory_space<vmem>>, vector<1x16xf32>,
        %get3A_789 = vector.shape_cast %get3A_788 : vector<1x16xf32> to vector<16xf32>
        %mul3A_790 = arith.mulf %get3A_789, %gather3A_755 : vector<16xf32>
        %swap3A_791 = arith.index_cast %add3A_750 : i32 to index
        %swap3A_792 = arith.constant 48 : index
        %swap3A_793 = tpu.vector_load %arg12[%swap3A_791, %swap3A_792] {strides = array<i32>} : memref<128x128xf32, #tpu.memory_space<vmem>>, vector<1x16xf32>,
        %swap3A_794 = vector.shape_cast %swap3A_793 : vector<1x16xf32> to vector<16xf32>
        %swap3A_795 = vector.shape_cast %mul3A_790 : vector<16xf32> to vector<1x16xf32>
        tpu.vector_store %arg12[%swap3A_791, %swap3A_792], %swap3A_795 {strides = array<i32>} : memref<128x128xf32, #tpu.memory_space<vmem>>, vector<1x16xf32>,
        %get3A_796 = arith.index_cast %add3A_750 : i32 to index
        %get3A_797 = arith.constant 64 : index
        %get3A_798 = tpu.vector_load %arg12[%get3A_796, %get3A_797] {strides = array<i32>} : memref<128x128xf32, #tpu.memory_space<vmem>>, vector<1x16xf32>,
        %get3A_799 = vector.shape_cast %get3A_798 : vector<1x16xf32> to vector<16xf32>
        %mul3A_800 = arith.mulf %get3A_799, %gather3A_755 : vector<16xf32>
        %swap3A_801 = arith.index_cast %add3A_750 : i32 to index
        %swap3A_802 = arith.constant 64 : index
        %swap3A_803 = tpu.vector_load %arg12[%swap3A_801, %swap3A_802] {strides = array<i32>} : memref<128x128xf32, #tpu.memory_space<vmem>>, vector<1x16xf32>,
        %swap3A_804 = vector.shape_cast %swap3A_803 : vector<1x16xf32> to vector<16xf32>
        %swap3A_805 = vector.shape_cast %mul3A_800 : vector<16xf32> to vector<1x16xf32>
        tpu.vector_store %arg12[%swap3A_801, %swap3A_802], %swap3A_805 {strides = array<i32>} : memref<128x128xf32, #tpu.memory_space<vmem>>, vector<1x16xf32>,
        %get3A_806 = arith.index_cast %add3A_750 : i32 to index
        %get3A_807 = arith.constant 80 : index
        %get3A_808 = tpu.vector_load %arg12[%get3A_806, %get3A_807] {strides = array<i32>} : memref<128x128xf32, #tpu.memory_space<vmem>>, vector<1x16xf32>,
        %get3A_809 = vector.shape_cast %get3A_808 : vector<1x16xf32> to vector<16xf32>
        %mul3A_810 = arith.mulf %get3A_809, %gather3A_755 : vector<16xf32>
        %swap3A_811 = arith.index_cast %add3A_750 : i32 to index
        %swap3A_812 = arith.constant 80 : index
        %swap3A_813 = tpu.vector_load %arg12[%swap3A_811, %swap3A_812] {strides = array<i32>} : memref<128x128xf32, #tpu.memory_space<vmem>>, vector<1x16xf32>,
        %swap3A_814 = vector.shape_cast %swap3A_813 : vector<1x16xf32> to vector<16xf32>
        %swap3A_815 = vector.shape_cast %mul3A_810 : vector<16xf32> to vector<1x16xf32>
        tpu.vector_store %arg12[%swap3A_811, %swap3A_812], %swap3A_815 {strides = array<i32>} : memref<128x128xf32, #tpu.memory_space<vmem>>, vector<1x16xf32>,
        %get3A_816 = arith.index_cast %add3A_750 : i32 to index
        %get3A_817 = arith.constant 96 : index
        %get3A_818 = tpu.vector_load %arg12[%get3A_816, %get3A_817] {strides = array<i32>} : memref<128x128xf32, #tpu.memory_space<vmem>>, vector<1x16xf32>,
        %get3A_819 = vector.shape_cast %get3A_818 : vector<1x16xf32> to vector<16xf32>
        %mul3A_820 = arith.mulf %get3A_819, %gather3A_755 : vector<16xf32>
        %swap3A_821 = arith.index_cast %add3A_750 : i32 to index
        %swap3A_822 = arith.constant 96 : index
        %swap3A_823 = tpu.vector_load %arg12[%swap3A_821, %swap3A_822] {strides = array<i32>} : memref<128x128xf32, #tpu.memory_space<vmem>>, vector<1x16xf32>,
        %swap3A_824 = vector.shape_cast %swap3A_823 : vector<1x16xf32> to vector<16xf32>
        %swap3A_825 = vector.shape_cast %mul3A_820 : vector<16xf32> to vector<1x16xf32>
        tpu.vector_store %arg12[%swap3A_821, %swap3A_822], %swap3A_825 {strides = array<i32>} : memref<128x128xf32, #tpu.memory_space<vmem>>, vector<1x16xf32>,
        %get3A_826 = arith.index_cast %add3A_750 : i32 to index
        %get3A_827 = arith.constant 112 : index
        %get3A_828 = tpu.vector_load %arg12[%get3A_826, %get3A_827] {strides = array<i32>} : memref<128x128xf32, #tpu.memory_space<vmem>>, vector<1x16xf32>,
        %get3A_829 = vector.shape_cast %get3A_828 : vector<1x16xf32> to vector<16xf32>
        %mul3A_830 = arith.mulf %get3A_829, %gather3A_755 : vector<16xf32>
        %swap3A_831 = arith.index_cast %add3A_750 : i32 to index
        %swap3A_832 = arith.constant 112 : index
        %swap3A_833 = tpu.vector_load %arg12[%swap3A_831, %swap3A_832] {strides = array<i32>} : memref<128x128xf32, #tpu.memory_space<vmem>>, vector<1x16xf32>,
        %swap3A_834 = vector.shape_cast %swap3A_833 : vector<1x16xf32> to vector<16xf32>
        %swap3A_835 = vector.shape_cast %mul3A_830 : vector<16xf32> to vector<1x16xf32>
        tpu.vector_store %arg12[%swap3A_831, %swap3A_832], %swap3A_835 {strides = array<i32>} : memref<128x128xf32, #tpu.memory_space<vmem>>, vector<1x16xf32>,
        %mul3A_836 = arith.constant 16 : i32
        %mul3A_837 = arith.muli %scan3A_33, %mul3A_836 : i32
        %add3A_838 = arith.constant 9 : i32
        %add3A_839 = arith.addi %mul3A_837, %add3A_838 : i32
        %broadcast_in_dim3A_840 = arith.constant 9 : i32
        %broadcast_in_dim3A_841 = vector.broadcast %broadcast_in_dim3A_840 : i32 to vector<16xi32>
        %broadcast_in_dim3A_842 = vector.shape_cast %broadcast_in_dim3A_841 : vector<16xi32> to vector<16x1xi32>
        %gather3A_843 = vector.shape_cast %broadcast_in_dim3A_842 : vector<16x1xi32> to vector<16xi32>
        %gather3A_844 = tpu.dynamic_gather %get3A_38[%gather3A_843] in [0] : vector<16xf32>, vector<16xi32> -> vector<16xf32>
        %get3A_845 = arith.index_cast %add3A_839 : i32 to index
        %get3A_846 = arith.constant 0 : index
        %get3A_847 = tpu.vector_load %arg12[%get3A_845, %get3A_846] {strides = array<i32>} : memref<128x128xf32, #tpu.memory_space<vmem>>, vector<1x16xf32>,
        %get3A_848 = vector.shape_cast %get3A_847 : vector<1x16xf32> to vector<16xf32>
        %mul3A_849 = arith.mulf %get3A_848, %gather3A_844 : vector<16xf32>
        %swap3A_850 = arith.index_cast %add3A_839 : i32 to index
        %swap3A_851 = arith.constant 0 : index
        %swap3A_852 = tpu.vector_load %arg12[%swap3A_850, %swap3A_851] {strides = array<i32>} : memref<128x128xf32, #tpu.memory_space<vmem>>, vector<1x16xf32>,
        %swap3A_853 = vector.shape_cast %swap3A_852 : vector<1x16xf32> to vector<16xf32>
        %swap3A_854 = vector.shape_cast %mul3A_849 : vector<16xf32> to vector<1x16xf32>
        tpu.vector_store %arg12[%swap3A_850, %swap3A_851], %swap3A_854 {strides = array<i32>} : memref<128x128xf32, #tpu.memory_space<vmem>>, vector<1x16xf32>,
        %get3A_855 = arith.index_cast %add3A_839 : i32 to index
        %get3A_856 = arith.constant 16 : index
        %get3A_857 = tpu.vector_load %arg12[%get3A_855, %get3A_856] {strides = array<i32>} : memref<128x128xf32, #tpu.memory_space<vmem>>, vector<1x16xf32>,
        %get3A_858 = vector.shape_cast %get3A_857 : vector<1x16xf32> to vector<16xf32>
        %mul3A_859 = arith.mulf %get3A_858, %gather3A_844 : vector<16xf32>
        %swap3A_860 = arith.index_cast %add3A_839 : i32 to index
        %swap3A_861 = arith.constant 16 : index
        %swap3A_862 = tpu.vector_load %arg12[%swap3A_860, %swap3A_861] {strides = array<i32>} : memref<128x128xf32, #tpu.memory_space<vmem>>, vector<1x16xf32>,
        %swap3A_863 = vector.shape_cast %swap3A_862 : vector<1x16xf32> to vector<16xf32>
        %swap3A_864 = vector.shape_cast %mul3A_859 : vector<16xf32> to vector<1x16xf32>
        tpu.vector_store %arg12[%swap3A_860, %swap3A_861], %swap3A_864 {strides = array<i32>} : memref<128x128xf32, #tpu.memory_space<vmem>>, vector<1x16xf32>,
        %get3A_865 = arith.index_cast %add3A_839 : i32 to index
        %get3A_866 = arith.constant 32 : index
        %get3A_867 = tpu.vector_load %arg12[%get3A_865, %get3A_866] {strides = array<i32>} : memref<128x128xf32, #tpu.memory_space<vmem>>, vector<1x16xf32>,
        %get3A_868 = vector.shape_cast %get3A_867 : vector<1x16xf32> to vector<16xf32>
        %mul3A_869 = arith.mulf %get3A_868, %gather3A_844 : vector<16xf32>
        %swap3A_870 = arith.index_cast %add3A_839 : i32 to index
        %swap3A_871 = arith.constant 32 : index
        %swap3A_872 = tpu.vector_load %arg12[%swap3A_870, %swap3A_871] {strides = array<i32>} : memref<128x128xf32, #tpu.memory_space<vmem>>, vector<1x16xf32>,
        %swap3A_873 = vector.shape_cast %swap3A_872 : vector<1x16xf32> to vector<16xf32>
        %swap3A_874 = vector.shape_cast %mul3A_869 : vector<16xf32> to vector<1x16xf32>
        tpu.vector_store %arg12[%swap3A_870, %swap3A_871], %swap3A_874 {strides = array<i32>} : memref<128x128xf32, #tpu.memory_space<vmem>>, vector<1x16xf32>,
        %get3A_875 = arith.index_cast %add3A_839 : i32 to index
        %get3A_876 = arith.constant 48 : index
        %get3A_877 = tpu.vector_load %arg12[%get3A_875, %get3A_876] {strides = array<i32>} : memref<128x128xf32, #tpu.memory_space<vmem>>, vector<1x16xf32>,
        %get3A_878 = vector.shape_cast %get3A_877 : vector<1x16xf32> to vector<16xf32>
        %mul3A_879 = arith.mulf %get3A_878, %gather3A_844 : vector<16xf32>
        %swap3A_880 = arith.index_cast %add3A_839 : i32 to index
        %swap3A_881 = arith.constant 48 : index
        %swap3A_882 = tpu.vector_load %arg12[%swap3A_880, %swap3A_881] {strides = array<i32>} : memref<128x128xf32, #tpu.memory_space<vmem>>, vector<1x16xf32>,
        %swap3A_883 = vector.shape_cast %swap3A_882 : vector<1x16xf32> to vector<16xf32>
        %swap3A_884 = vector.shape_cast %mul3A_879 : vector<16xf32> to vector<1x16xf32>
        tpu.vector_store %arg12[%swap3A_880, %swap3A_881], %swap3A_884 {strides = array<i32>} : memref<128x128xf32, #tpu.memory_space<vmem>>, vector<1x16xf32>,
        %get3A_885 = arith.index_cast %add3A_839 : i32 to index
        %get3A_886 = arith.constant 64 : index
        %get3A_887 = tpu.vector_load %arg12[%get3A_885, %get3A_886] {strides = array<i32>} : memref<128x128xf32, #tpu.memory_space<vmem>>, vector<1x16xf32>,
        %get3A_888 = vector.shape_cast %get3A_887 : vector<1x16xf32> to vector<16xf32>
        %mul3A_889 = arith.mulf %get3A_888, %gather3A_844 : vector<16xf32>
        %swap3A_890 = arith.index_cast %add3A_839 : i32 to index
        %swap3A_891 = arith.constant 64 : index
        %swap3A_892 = tpu.vector_load %arg12[%swap3A_890, %swap3A_891] {strides = array<i32>} : memref<128x128xf32, #tpu.memory_space<vmem>>, vector<1x16xf32>,
        %swap3A_893 = vector.shape_cast %swap3A_892 : vector<1x16xf32> to vector<16xf32>
        %swap3A_894 = vector.shape_cast %mul3A_889 : vector<16xf32> to vector<1x16xf32>
        tpu.vector_store %arg12[%swap3A_890, %swap3A_891], %swap3A_894 {strides = array<i32>} : memref<128x128xf32, #tpu.memory_space<vmem>>, vector<1x16xf32>,
        %get3A_895 = arith.index_cast %add3A_839 : i32 to index
        %get3A_896 = arith.constant 80 : index
        %get3A_897 = tpu.vector_load %arg12[%get3A_895, %get3A_896] {strides = array<i32>} : memref<128x128xf32, #tpu.memory_space<vmem>>, vector<1x16xf32>,
        %get3A_898 = vector.shape_cast %get3A_897 : vector<1x16xf32> to vector<16xf32>
        %mul3A_899 = arith.mulf %get3A_898, %gather3A_844 : vector<16xf32>
        %swap3A_900 = arith.index_cast %add3A_839 : i32 to index
        %swap3A_901 = arith.constant 80 : index
        %swap3A_902 = tpu.vector_load %arg12[%swap3A_900, %swap3A_901] {strides = array<i32>} : memref<128x128xf32, #tpu.memory_space<vmem>>, vector<1x16xf32>,
        %swap3A_903 = vector.shape_cast %swap3A_902 : vector<1x16xf32> to vector<16xf32>
        %swap3A_904 = vector.shape_cast %mul3A_899 : vector<16xf32> to vector<1x16xf32>
        tpu.vector_store %arg12[%swap3A_900, %swap3A_901], %swap3A_904 {strides = array<i32>} : memref<128x128xf32, #tpu.memory_space<vmem>>, vector<1x16xf32>,
        %get3A_905 = arith.index_cast %add3A_839 : i32 to index
        %get3A_906 = arith.constant 96 : index
        %get3A_907 = tpu.vector_load %arg12[%get3A_905, %get3A_906] {strides = array<i32>} : memref<128x128xf32, #tpu.memory_space<vmem>>, vector<1x16xf32>,
        %get3A_908 = vector.shape_cast %get3A_907 : vector<1x16xf32> to vector<16xf32>
        %mul3A_909 = arith.mulf %get3A_908, %gather3A_844 : vector<16xf32>
        %swap3A_910 = arith.index_cast %add3A_839 : i32 to index
        %swap3A_911 = arith.constant 96 : index
        %swap3A_912 = tpu.vector_load %arg12[%swap3A_910, %swap3A_911] {strides = array<i32>} : memref<128x128xf32, #tpu.memory_space<vmem>>, vector<1x16xf32>,
        %swap3A_913 = vector.shape_cast %swap3A_912 : vector<1x16xf32> to vector<16xf32>
        %swap3A_914 = vector.shape_cast %mul3A_909 : vector<16xf32> to vector<1x16xf32>
        tpu.vector_store %arg12[%swap3A_910, %swap3A_911], %swap3A_914 {strides = array<i32>} : memref<128x128xf32, #tpu.memory_space<vmem>>, vector<1x16xf32>,
        %get3A_915 = arith.index_cast %add3A_839 : i32 to index
        %get3A_916 = arith.constant 112 : index
        %get3A_917 = tpu.vector_load %arg12[%get3A_915, %get3A_916] {strides = array<i32>} : memref<128x128xf32, #tpu.memory_space<vmem>>, vector<1x16xf32>,
        %get3A_918 = vector.shape_cast %get3A_917 : vector<1x16xf32> to vector<16xf32>
        %mul3A_919 = arith.mulf %get3A_918, %gather3A_844 : vector<16xf32>
        %swap3A_920 = arith.index_cast %add3A_839 : i32 to index
        %swap3A_921 = arith.constant 112 : index
        %swap3A_922 = tpu.vector_load %arg12[%swap3A_920, %swap3A_921] {strides = array<i32>} : memref<128x128xf32, #tpu.memory_space<vmem>>, vector<1x16xf32>,
        %swap3A_923 = vector.shape_cast %swap3A_922 : vector<1x16xf32> to vector<16xf32>
        %swap3A_924 = vector.shape_cast %mul3A_919 : vector<16xf32> to vector<1x16xf32>
        tpu.vector_store %arg12[%swap3A_920, %swap3A_921], %swap3A_924 {strides = array<i32>} : memref<128x128xf32, #tpu.memory_space<vmem>>, vector<1x16xf32>,
        %mul3A_925 = arith.constant 16 : i32
        %mul3A_926 = arith.muli %scan3A_33, %mul3A_925 : i32
        %add3A_927 = arith.constant 10 : i32
        %add3A_928 = arith.addi %mul3A_926, %add3A_927 : i32
        %broadcast_in_dim3A_929 = arith.constant 10 : i32
        %broadcast_in_dim3A_930 = vector.broadcast %broadcast_in_dim3A_929 : i32 to vector<16xi32>
        %broadcast_in_dim3A_931 = vector.shape_cast %broadcast_in_dim3A_930 : vector<16xi32> to vector<16x1xi32>
        %gather3A_932 = vector.shape_cast %broadcast_in_dim3A_931 : vector<16x1xi32> to vector<16xi32>
        %gather3A_933 = tpu.dynamic_gather %get3A_38[%gather3A_932] in [0] : vector<16xf32>, vector<16xi32> -> vector<16xf32>
        %get3A_934 = arith.index_cast %add3A_928 : i32 to index
        %get3A_935 = arith.constant 0 : index
        %get3A_936 = tpu.vector_load %arg12[%get3A_934, %get3A_935] {strides = array<i32>} : memref<128x128xf32, #tpu.memory_space<vmem>>, vector<1x16xf32>,
        %get3A_937 = vector.shape_cast %get3A_936 : vector<1x16xf32> to vector<16xf32>
        %mul3A_938 = arith.mulf %get3A_937, %gather3A_933 : vector<16xf32>
        %swap3A_939 = arith.index_cast %add3A_928 : i32 to index
        %swap3A_940 = arith.constant 0 : index
        %swap3A_941 = tpu.vector_load %arg12[%swap3A_939, %swap3A_940] {strides = array<i32>} : memref<128x128xf32, #tpu.memory_space<vmem>>, vector<1x16xf32>,
        %swap3A_942 = vector.shape_cast %swap3A_941 : vector<1x16xf32> to vector<16xf32>
        %swap3A_943 = vector.shape_cast %mul3A_938 : vector<16xf32> to vector<1x16xf32>
        tpu.vector_store %arg12[%swap3A_939, %swap3A_940], %swap3A_943 {strides = array<i32>} : memref<128x128xf32, #tpu.memory_space<vmem>>, vector<1x16xf32>,
        %get3A_944 = arith.index_cast %add3A_928 : i32 to index
        %get3A_945 = arith.constant 16 : index
        %get3A_946 = tpu.vector_load %arg12[%get3A_944, %get3A_945] {strides = array<i32>} : memref<128x128xf32, #tpu.memory_space<vmem>>, vector<1x16xf32>,
        %get3A_947 = vector.shape_cast %get3A_946 : vector<1x16xf32> to vector<16xf32>
        %mul3A_948 = arith.mulf %get3A_947, %gather3A_933 : vector<16xf32>
        %swap3A_949 = arith.index_cast %add3A_928 : i32 to index
        %swap3A_950 = arith.constant 16 : index
        %swap3A_951 = tpu.vector_load %arg12[%swap3A_949, %swap3A_950] {strides = array<i32>} : memref<128x128xf32, #tpu.memory_space<vmem>>, vector<1x16xf32>,
        %swap3A_952 = vector.shape_cast %swap3A_951 : vector<1x16xf32> to vector<16xf32>
        %swap3A_953 = vector.shape_cast %mul3A_948 : vector<16xf32> to vector<1x16xf32>
        tpu.vector_store %arg12[%swap3A_949, %swap3A_950], %swap3A_953 {strides = array<i32>} : memref<128x128xf32, #tpu.memory_space<vmem>>, vector<1x16xf32>,
        %get3A_954 = arith.index_cast %add3A_928 : i32 to index
        %get3A_955 = arith.constant 32 : index
        %get3A_956 = tpu.vector_load %arg12[%get3A_954, %get3A_955] {strides = array<i32>} : memref<128x128xf32, #tpu.memory_space<vmem>>, vector<1x16xf32>,
        %get3A_957 = vector.shape_cast %get3A_956 : vector<1x16xf32> to vector<16xf32>
        %mul3A_958 = arith.mulf %get3A_957, %gather3A_933 : vector<16xf32>
        %swap3A_959 = arith.index_cast %add3A_928 : i32 to index
        %swap3A_960 = arith.constant 32 : index
        %swap3A_961 = tpu.vector_load %arg12[%swap3A_959, %swap3A_960] {strides = array<i32>} : memref<128x128xf32, #tpu.memory_space<vmem>>, vector<1x16xf32>,
        %swap3A_962 = vector.shape_cast %swap3A_961 : vector<1x16xf32> to vector<16xf32>
        %swap3A_963 = vector.shape_cast %mul3A_958 : vector<16xf32> to vector<1x16xf32>
        tpu.vector_store %arg12[%swap3A_959, %swap3A_960], %swap3A_963 {strides = array<i32>} : memref<128x128xf32, #tpu.memory_space<vmem>>, vector<1x16xf32>,
        %get3A_964 = arith.index_cast %add3A_928 : i32 to index
        %get3A_965 = arith.constant 48 : index
        %get3A_966 = tpu.vector_load %arg12[%get3A_964, %get3A_965] {strides = array<i32>} : memref<128x128xf32, #tpu.memory_space<vmem>>, vector<1x16xf32>,
        %get3A_967 = vector.shape_cast %get3A_966 : vector<1x16xf32> to vector<16xf32>
        %mul3A_968 = arith.mulf %get3A_967, %gather3A_933 : vector<16xf32>
        %swap3A_969 = arith.index_cast %add3A_928 : i32 to index
        %swap3A_970 = arith.constant 48 : index
        %swap3A_971 = tpu.vector_load %arg12[%swap3A_969, %swap3A_970] {strides = array<i32>} : memref<128x128xf32, #tpu.memory_space<vmem>>, vector<1x16xf32>,
        %swap3A_972 = vector.shape_cast %swap3A_971 : vector<1x16xf32> to vector<16xf32>
        %swap3A_973 = vector.shape_cast %mul3A_968 : vector<16xf32> to vector<1x16xf32>
        tpu.vector_store %arg12[%swap3A_969, %swap3A_970], %swap3A_973 {strides = array<i32>} : memref<128x128xf32, #tpu.memory_space<vmem>>, vector<1x16xf32>,
        %get3A_974 = arith.index_cast %add3A_928 : i32 to index
        %get3A_975 = arith.constant 64 : index
        %get3A_976 = tpu.vector_load %arg12[%get3A_974, %get3A_975] {strides = array<i32>} : memref<128x128xf32, #tpu.memory_space<vmem>>, vector<1x16xf32>,
        %get3A_977 = vector.shape_cast %get3A_976 : vector<1x16xf32> to vector<16xf32>
        %mul3A_978 = arith.mulf %get3A_977, %gather3A_933 : vector<16xf32>
        %swap3A_979 = arith.index_cast %add3A_928 : i32 to index
        %swap3A_980 = arith.constant 64 : index
        %swap3A_981 = tpu.vector_load %arg12[%swap3A_979, %swap3A_980] {strides = array<i32>} : memref<128x128xf32, #tpu.memory_space<vmem>>, vector<1x16xf32>,
        %swap3A_982 = vector.shape_cast %swap3A_981 : vector<1x16xf32> to vector<16xf32>
        %swap3A_983 = vector.shape_cast %mul3A_978 : vector<16xf32> to vector<1x16xf32>
        tpu.vector_store %arg12[%swap3A_979, %swap3A_980], %swap3A_983 {strides = array<i32>} : memref<128x128xf32, #tpu.memory_space<vmem>>, vector<1x16xf32>,
        %get3A_984 = arith.index_cast %add3A_928 : i32 to index
        %get3A_985 = arith.constant 80 : index
        %get3A_986 = tpu.vector_load %arg12[%get3A_984, %get3A_985] {strides = array<i32>} : memref<128x128xf32, #tpu.memory_space<vmem>>, vector<1x16xf32>,
        %get3A_987 = vector.shape_cast %get3A_986 : vector<1x16xf32> to vector<16xf32>
        %mul3A_988 = arith.mulf %get3A_987, %gather3A_933 : vector<16xf32>
        %swap3A_989 = arith.index_cast %add3A_928 : i32 to index
        %swap3A_990 = arith.constant 80 : index
        %swap3A_991 = tpu.vector_load %arg12[%swap3A_989, %swap3A_990] {strides = array<i32>} : memref<128x128xf32, #tpu.memory_space<vmem>>, vector<1x16xf32>,
        %swap3A_992 = vector.shape_cast %swap3A_991 : vector<1x16xf32> to vector<16xf32>
        %swap3A_993 = vector.shape_cast %mul3A_988 : vector<16xf32> to vector<1x16xf32>
        tpu.vector_store %arg12[%swap3A_989, %swap3A_990], %swap3A_993 {strides = array<i32>} : memref<128x128xf32, #tpu.memory_space<vmem>>, vector<1x16xf32>,
        %get3A_994 = arith.index_cast %add3A_928 : i32 to index
        %get3A_995 = arith.constant 96 : index
        %get3A_996 = tpu.vector_load %arg12[%get3A_994, %get3A_995] {strides = array<i32>} : memref<128x128xf32, #tpu.memory_space<vmem>>, vector<1x16xf32>,
        %get3A_997 = vector.shape_cast %get3A_996 : vector<1x16xf32> to vector<16xf32>
        %mul3A_998 = arith.mulf %get3A_997, %gather3A_933 : vector<16xf32>
        %swap3A_999 = arith.index_cast %add3A_928 : i32 to index
        %swap3A_1000 = arith.constant 96 : index
        %swap3A_1001 = tpu.vector_load %arg12[%swap3A_999, %swap3A_1000] {strides = array<i32>} : memref<128x128xf32, #tpu.memory_space<vmem>>, vector<1x16xf32>,
        %swap3A_1002 = vector.shape_cast %swap3A_1001 : vector<1x16xf32> to vector<16xf32>
        %swap3A_1003 = vector.shape_cast %mul3A_998 : vector<16xf32> to vector<1x16xf32>
        tpu.vector_store %arg12[%swap3A_999, %swap3A_1000], %swap3A_1003 {strides = array<i32>} : memref<128x128xf32, #tpu.memory_space<vmem>>, vector<1x16xf32>,
        %get3A_1004 = arith.index_cast %add3A_928 : i32 to index
        %get3A_1005 = arith.constant 112 : index
        %get3A_1006 = tpu.vector_load %arg12[%get3A_1004, %get3A_1005] {strides = array<i32>} : memref<128x128xf32, #tpu.memory_space<vmem>>, vector<1x16xf32>,
        %get3A_1007 = vector.shape_cast %get3A_1006 : vector<1x16xf32> to vector<16xf32>
        %mul3A_1008 = arith.mulf %get3A_1007, %gather3A_933 : vector<16xf32>
        %swap3A_1009 = arith.index_cast %add3A_928 : i32 to index
        %swap3A_1010 = arith.constant 112 : index
        %swap3A_1011 = tpu.vector_load %arg12[%swap3A_1009, %swap3A_1010] {strides = array<i32>} : memref<128x128xf32, #tpu.memory_space<vmem>>, vector<1x16xf32>,
        %swap3A_1012 = vector.shape_cast %swap3A_1011 : vector<1x16xf32> to vector<16xf32>
        %swap3A_1013 = vector.shape_cast %mul3A_1008 : vector<16xf32> to vector<1x16xf32>
        tpu.vector_store %arg12[%swap3A_1009, %swap3A_1010], %swap3A_1013 {strides = array<i32>} : memref<128x128xf32, #tpu.memory_space<vmem>>, vector<1x16xf32>,
        %mul3A_1014 = arith.constant 16 : i32
        %mul3A_1015 = arith.muli %scan3A_33, %mul3A_1014 : i32
        %add3A_1016 = arith.constant 11 : i32
        %add3A_1017 = arith.addi %mul3A_1015, %add3A_1016 : i32
        %broadcast_in_dim3A_1018 = arith.constant 11 : i32
        %broadcast_in_dim3A_1019 = vector.broadcast %broadcast_in_dim3A_1018 : i32 to vector<16xi32>
        %broadcast_in_dim3A_1020 = vector.shape_cast %broadcast_in_dim3A_1019 : vector<16xi32> to vector<16x1xi32>
        %gather3A_1021 = vector.shape_cast %broadcast_in_dim3A_1020 : vector<16x1xi32> to vector<16xi32>
        %gather3A_1022 = tpu.dynamic_gather %get3A_38[%gather3A_1021] in [0] : vector<16xf32>, vector<16xi32> -> vector<16xf32>
        %get3A_1023 = arith.index_cast %add3A_1017 : i32 to index
        %get3A_1024 = arith.constant 0 : index
        %get3A_1025 = tpu.vector_load %arg12[%get3A_1023, %get3A_1024] {strides = array<i32>} : memref<128x128xf32, #tpu.memory_space<vmem>>, vector<1x16xf32>,
        %get3A_1026 = vector.shape_cast %get3A_1025 : vector<1x16xf32> to vector<16xf32>
        %mul3A_1027 = arith.mulf %get3A_1026, %gather3A_1022 : vector<16xf32>
        %swap3A_1028 = arith.index_cast %add3A_1017 : i32 to index
        %swap3A_1029 = arith.constant 0 : index
        %swap3A_1030 = tpu.vector_load %arg12[%swap3A_1028, %swap3A_1029] {strides = array<i32>} : memref<128x128xf32, #tpu.memory_space<vmem>>, vector<1x16xf32>,
        %swap3A_1031 = vector.shape_cast %swap3A_1030 : vector<1x16xf32> to vector<16xf32>
        %swap3A_1032 = vector.shape_cast %mul3A_1027 : vector<16xf32> to vector<1x16xf32>
        tpu.vector_store %arg12[%swap3A_1028, %swap3A_1029], %swap3A_1032 {strides = array<i32>} : memref<128x128xf32, #tpu.memory_space<vmem>>, vector<1x16xf32>,
        %get3A_1033 = arith.index_cast %add3A_1017 : i32 to index
        %get3A_1034 = arith.constant 16 : index
        %get3A_1035 = tpu.vector_load %arg12[%get3A_1033, %get3A_1034] {strides = array<i32>} : memref<128x128xf32, #tpu.memory_space<vmem>>, vector<1x16xf32>,
        %get3A_1036 = vector.shape_cast %get3A_1035 : vector<1x16xf32> to vector<16xf32>
        %mul3A_1037 = arith.mulf %get3A_1036, %gather3A_1022 : vector<16xf32>
        %swap3A_1038 = arith.index_cast %add3A_1017 : i32 to index
        %swap3A_1039 = arith.constant 16 : index
        %swap3A_1040 = tpu.vector_load %arg12[%swap3A_1038, %swap3A_1039] {strides = array<i32>} : memref<128x128xf32, #tpu.memory_space<vmem>>, vector<1x16xf32>,
        %swap3A_1041 = vector.shape_cast %swap3A_1040 : vector<1x16xf32> to vector<16xf32>
        %swap3A_1042 = vector.shape_cast %mul3A_1037 : vector<16xf32> to vector<1x16xf32>
        tpu.vector_store %arg12[%swap3A_1038, %swap3A_1039], %swap3A_1042 {strides = array<i32>} : memref<128x128xf32, #tpu.memory_space<vmem>>, vector<1x16xf32>,
        %get3A_1043 = arith.index_cast %add3A_1017 : i32 to index
        %get3A_1044 = arith.constant 32 : index
        %get3A_1045 = tpu.vector_load %arg12[%get3A_1043, %get3A_1044] {strides = array<i32>} : memref<128x128xf32, #tpu.memory_space<vmem>>, vector<1x16xf32>,
        %get3A_1046 = vector.shape_cast %get3A_1045 : vector<1x16xf32> to vector<16xf32>
        %mul3A_1047 = arith.mulf %get3A_1046, %gather3A_1022 : vector<16xf32>
        %swap3A_1048 = arith.index_cast %add3A_1017 : i32 to index
        %swap3A_1049 = arith.constant 32 : index
        %swap3A_1050 = tpu.vector_load %arg12[%swap3A_1048, %swap3A_1049] {strides = array<i32>} : memref<128x128xf32, #tpu.memory_space<vmem>>, vector<1x16xf32>,
        %swap3A_1051 = vector.shape_cast %swap3A_1050 : vector<1x16xf32> to vector<16xf32>
        %swap3A_1052 = vector.shape_cast %mul3A_1047 : vector<16xf32> to vector<1x16xf32>
        tpu.vector_store %arg12[%swap3A_1048, %swap3A_1049], %swap3A_1052 {strides = array<i32>} : memref<128x128xf32, #tpu.memory_space<vmem>>, vector<1x16xf32>,
        %get3A_1053 = arith.index_cast %add3A_1017 : i32 to index
        %get3A_1054 = arith.constant 48 : index
        %get3A_1055 = tpu.vector_load %arg12[%get3A_1053, %get3A_1054] {strides = array<i32>} : memref<128x128xf32, #tpu.memory_space<vmem>>, vector<1x16xf32>,
        %get3A_1056 = vector.shape_cast %get3A_1055 : vector<1x16xf32> to vector<16xf32>
        %mul3A_1057 = arith.mulf %get3A_1056, %gather3A_1022 : vector<16xf32>
        %swap3A_1058 = arith.index_cast %add3A_1017 : i32 to index
        %swap3A_1059 = arith.constant 48 : index
        %swap3A_1060 = tpu.vector_load %arg12[%swap3A_1058, %swap3A_1059] {strides = array<i32>} : memref<128x128xf32, #tpu.memory_space<vmem>>, vector<1x16xf32>,
        %swap3A_1061 = vector.shape_cast %swap3A_1060 : vector<1x16xf32> to vector<16xf32>
        %swap3A_1062 = vector.shape_cast %mul3A_1057 : vector<16xf32> to vector<1x16xf32>
        tpu.vector_store %arg12[%swap3A_1058, %swap3A_1059], %swap3A_1062 {strides = array<i32>} : memref<128x128xf32, #tpu.memory_space<vmem>>, vector<1x16xf32>,
        %get3A_1063 = arith.index_cast %add3A_1017 : i32 to index
        %get3A_1064 = arith.constant 64 : index
        %get3A_1065 = tpu.vector_load %arg12[%get3A_1063, %get3A_1064] {strides = array<i32>} : memref<128x128xf32, #tpu.memory_space<vmem>>, vector<1x16xf32>,
        %get3A_1066 = vector.shape_cast %get3A_1065 : vector<1x16xf32> to vector<16xf32>
        %mul3A_1067 = arith.mulf %get3A_1066, %gather3A_1022 : vector<16xf32>
        %swap3A_1068 = arith.index_cast %add3A_1017 : i32 to index
        %swap3A_1069 = arith.constant 64 : index
        %swap3A_1070 = tpu.vector_load %arg12[%swap3A_1068, %swap3A_1069] {strides = array<i32>} : memref<128x128xf32, #tpu.memory_space<vmem>>, vector<1x16xf32>,
        %swap3A_1071 = vector.shape_cast %swap3A_1070 : vector<1x16xf32> to vector<16xf32>
        %swap3A_1072 = vector.shape_cast %mul3A_1067 : vector<16xf32> to vector<1x16xf32>
        tpu.vector_store %arg12[%swap3A_1068, %swap3A_1069], %swap3A_1072 {strides = array<i32>} : memref<128x128xf32, #tpu.memory_space<vmem>>, vector<1x16xf32>,
        %get3A_1073 = arith.index_cast %add3A_1017 : i32 to index
        %get3A_1074 = arith.constant 80 : index
        %get3A_1075 = tpu.vector_load %arg12[%get3A_1073, %get3A_1074] {strides = array<i32>} : memref<128x128xf32, #tpu.memory_space<vmem>>, vector<1x16xf32>,
        %get3A_1076 = vector.shape_cast %get3A_1075 : vector<1x16xf32> to vector<16xf32>
        %mul3A_1077 = arith.mulf %get3A_1076, %gather3A_1022 : vector<16xf32>
        %swap3A_1078 = arith.index_cast %add3A_1017 : i32 to index
        %swap3A_1079 = arith.constant 80 : index
        %swap3A_1080 = tpu.vector_load %arg12[%swap3A_1078, %swap3A_1079] {strides = array<i32>} : memref<128x128xf32, #tpu.memory_space<vmem>>, vector<1x16xf32>,
        %swap3A_1081 = vector.shape_cast %swap3A_1080 : vector<1x16xf32> to vector<16xf32>
        %swap3A_1082 = vector.shape_cast %mul3A_1077 : vector<16xf32> to vector<1x16xf32>
        tpu.vector_store %arg12[%swap3A_1078, %swap3A_1079], %swap3A_1082 {strides = array<i32>} : memref<128x128xf32, #tpu.memory_space<vmem>>, vector<1x16xf32>,
        %get3A_1083 = arith.index_cast %add3A_1017 : i32 to index
        %get3A_1084 = arith.constant 96 : index
        %get3A_1085 = tpu.vector_load %arg12[%get3A_1083, %get3A_1084] {strides = array<i32>} : memref<128x128xf32, #tpu.memory_space<vmem>>, vector<1x16xf32>,
        %get3A_1086 = vector.shape_cast %get3A_1085 : vector<1x16xf32> to vector<16xf32>
        %mul3A_1087 = arith.mulf %get3A_1086, %gather3A_1022 : vector<16xf32>
        %swap3A_1088 = arith.index_cast %add3A_1017 : i32 to index
        %swap3A_1089 = arith.constant 96 : index
        %swap3A_1090 = tpu.vector_load %arg12[%swap3A_1088, %swap3A_1089] {strides = array<i32>} : memref<128x128xf32, #tpu.memory_space<vmem>>, vector<1x16xf32>,
        %swap3A_1091 = vector.shape_cast %swap3A_1090 : vector<1x16xf32> to vector<16xf32>
        %swap3A_1092 = vector.shape_cast %mul3A_1087 : vector<16xf32> to vector<1x16xf32>
        tpu.vector_store %arg12[%swap3A_1088, %swap3A_1089], %swap3A_1092 {strides = array<i32>} : memref<128x128xf32, #tpu.memory_space<vmem>>, vector<1x16xf32>,
        %get3A_1093 = arith.index_cast %add3A_1017 : i32 to index
        %get3A_1094 = arith.constant 112 : index
        %get3A_1095 = tpu.vector_load %arg12[%get3A_1093, %get3A_1094] {strides = array<i32>} : memref<128x128xf32, #tpu.memory_space<vmem>>, vector<1x16xf32>,
        %get3A_1096 = vector.shape_cast %get3A_1095 : vector<1x16xf32> to vector<16xf32>
        %mul3A_1097 = arith.mulf %get3A_1096, %gather3A_1022 : vector<16xf32>
        %swap3A_1098 = arith.index_cast %add3A_1017 : i32 to index
        %swap3A_1099 = arith.constant 112 : index
        %swap3A_1100 = tpu.vector_load %arg12[%swap3A_1098, %swap3A_1099] {strides = array<i32>} : memref<128x128xf32, #tpu.memory_space<vmem>>, vector<1x16xf32>,
        %swap3A_1101 = vector.shape_cast %swap3A_1100 : vector<1x16xf32> to vector<16xf32>
        %swap3A_1102 = vector.shape_cast %mul3A_1097 : vector<16xf32> to vector<1x16xf32>
        tpu.vector_store %arg12[%swap3A_1098, %swap3A_1099], %swap3A_1102 {strides = array<i32>} : memref<128x128xf32, #tpu.memory_space<vmem>>, vector<1x16xf32>,
        %mul3A_1103 = arith.constant 16 : i32
        %mul3A_1104 = arith.muli %scan3A_33, %mul3A_1103 : i32
        %add3A_1105 = arith.constant 12 : i32
        %add3A_1106 = arith.addi %mul3A_1104, %add3A_1105 : i32
        %broadcast_in_dim3A_1107 = arith.constant 12 : i32
        %broadcast_in_dim3A_1108 = vector.broadcast %broadcast_in_dim3A_1107 : i32 to vector<16xi32>
        %broadcast_in_dim3A_1109 = vector.shape_cast %broadcast_in_dim3A_1108 : vector<16xi32> to vector<16x1xi32>
        %gather3A_1110 = vector.shape_cast %broadcast_in_dim3A_1109 : vector<16x1xi32> to vector<16xi32>
        %gather3A_1111 = tpu.dynamic_gather %get3A_38[%gather3A_1110] in [0] : vector<16xf32>, vector<16xi32> -> vector<16xf32>
        %get3A_1112 = arith.index_cast %add3A_1106 : i32 to index
        %get3A_1113 = arith.constant 0 : index
        %get3A_1114 = tpu.vector_load %arg12[%get3A_1112, %get3A_1113] {strides = array<i32>} : memref<128x128xf32, #tpu.memory_space<vmem>>, vector<1x16xf32>,
        %get3A_1115 = vector.shape_cast %get3A_1114 : vector<1x16xf32> to vector<16xf32>
        %mul3A_1116 = arith.mulf %get3A_1115, %gather3A_1111 : vector<16xf32>
        %swap3A_1117 = arith.index_cast %add3A_1106 : i32 to index
        %swap3A_1118 = arith.constant 0 : index
        %swap3A_1119 = tpu.vector_load %arg12[%swap3A_1117, %swap3A_1118] {strides = array<i32>} : memref<128x128xf32, #tpu.memory_space<vmem>>, vector<1x16xf32>,
        %swap3A_1120 = vector.shape_cast %swap3A_1119 : vector<1x16xf32> to vector<16xf32>
        %swap3A_1121 = vector.shape_cast %mul3A_1116 : vector<16xf32> to vector<1x16xf32>
        tpu.vector_store %arg12[%swap3A_1117, %swap3A_1118], %swap3A_1121 {strides = array<i32>} : memref<128x128xf32, #tpu.memory_space<vmem>>, vector<1x16xf32>,
        %get3A_1122 = arith.index_cast %add3A_1106 : i32 to index
        %get3A_1123 = arith.constant 16 : index
        %get3A_1124 = tpu.vector_load %arg12[%get3A_1122, %get3A_1123] {strides = array<i32>} : memref<128x128xf32, #tpu.memory_space<vmem>>, vector<1x16xf32>,
        %get3A_1125 = vector.shape_cast %get3A_1124 : vector<1x16xf32> to vector<16xf32>
        %mul3A_1126 = arith.mulf %get3A_1125, %gather3A_1111 : vector<16xf32>
        %swap3A_1127 = arith.index_cast %add3A_1106 : i32 to index
        %swap3A_1128 = arith.constant 16 : index
        %swap3A_1129 = tpu.vector_load %arg12[%swap3A_1127, %swap3A_1128] {strides = array<i32>} : memref<128x128xf32, #tpu.memory_space<vmem>>, vector<1x16xf32>,
        %swap3A_1130 = vector.shape_cast %swap3A_1129 : vector<1x16xf32> to vector<16xf32>
        %swap3A_1131 = vector.shape_cast %mul3A_1126 : vector<16xf32> to vector<1x16xf32>
        tpu.vector_store %arg12[%swap3A_1127, %swap3A_1128], %swap3A_1131 {strides = array<i32>} : memref<128x128xf32, #tpu.memory_space<vmem>>, vector<1x16xf32>,
        %get3A_1132 = arith.index_cast %add3A_1106 : i32 to index
        %get3A_1133 = arith.constant 32 : index
        %get3A_1134 = tpu.vector_load %arg12[%get3A_1132, %get3A_1133] {strides = array<i32>} : memref<128x128xf32, #tpu.memory_space<vmem>>, vector<1x16xf32>,
        %get3A_1135 = vector.shape_cast %get3A_1134 : vector<1x16xf32> to vector<16xf32>
        %mul3A_1136 = arith.mulf %get3A_1135, %gather3A_1111 : vector<16xf32>
        %swap3A_1137 = arith.index_cast %add3A_1106 : i32 to index
        %swap3A_1138 = arith.constant 32 : index
        %swap3A_1139 = tpu.vector_load %arg12[%swap3A_1137, %swap3A_1138] {strides = array<i32>} : memref<128x128xf32, #tpu.memory_space<vmem>>, vector<1x16xf32>,
        %swap3A_1140 = vector.shape_cast %swap3A_1139 : vector<1x16xf32> to vector<16xf32>
        %swap3A_1141 = vector.shape_cast %mul3A_1136 : vector<16xf32> to vector<1x16xf32>
        tpu.vector_store %arg12[%swap3A_1137, %swap3A_1138], %swap3A_1141 {strides = array<i32>} : memref<128x128xf32, #tpu.memory_space<vmem>>, vector<1x16xf32>,
        %get3A_1142 = arith.index_cast %add3A_1106 : i32 to index
        %get3A_1143 = arith.constant 48 : index
        %get3A_1144 = tpu.vector_load %arg12[%get3A_1142, %get3A_1143] {strides = array<i32>} : memref<128x128xf32, #tpu.memory_space<vmem>>, vector<1x16xf32>,
        %get3A_1145 = vector.shape_cast %get3A_1144 : vector<1x16xf32> to vector<16xf32>
        %mul3A_1146 = arith.mulf %get3A_1145, %gather3A_1111 : vector<16xf32>
        %swap3A_1147 = arith.index_cast %add3A_1106 : i32 to index
        %swap3A_1148 = arith.constant 48 : index
        %swap3A_1149 = tpu.vector_load %arg12[%swap3A_1147, %swap3A_1148] {strides = array<i32>} : memref<128x128xf32, #tpu.memory_space<vmem>>, vector<1x16xf32>,
        %swap3A_1150 = vector.shape_cast %swap3A_1149 : vector<1x16xf32> to vector<16xf32>
        %swap3A_1151 = vector.shape_cast %mul3A_1146 : vector<16xf32> to vector<1x16xf32>
        tpu.vector_store %arg12[%swap3A_1147, %swap3A_1148], %swap3A_1151 {strides = array<i32>} : memref<128x128xf32, #tpu.memory_space<vmem>>, vector<1x16xf32>,
        %get3A_1152 = arith.index_cast %add3A_1106 : i32 to index
        %get3A_1153 = arith.constant 64 : index
        %get3A_1154 = tpu.vector_load %arg12[%get3A_1152, %get3A_1153] {strides = array<i32>} : memref<128x128xf32, #tpu.memory_space<vmem>>, vector<1x16xf32>,
        %get3A_1155 = vector.shape_cast %get3A_1154 : vector<1x16xf32> to vector<16xf32>
        %mul3A_1156 = arith.mulf %get3A_1155, %gather3A_1111 : vector<16xf32>
        %swap3A_1157 = arith.index_cast %add3A_1106 : i32 to index
        %swap3A_1158 = arith.constant 64 : index
        %swap3A_1159 = tpu.vector_load %arg12[%swap3A_1157, %swap3A_1158] {strides = array<i32>} : memref<128x128xf32, #tpu.memory_space<vmem>>, vector<1x16xf32>,
        %swap3A_1160 = vector.shape_cast %swap3A_1159 : vector<1x16xf32> to vector<16xf32>
        %swap3A_1161 = vector.shape_cast %mul3A_1156 : vector<16xf32> to vector<1x16xf32>
        tpu.vector_store %arg12[%swap3A_1157, %swap3A_1158], %swap3A_1161 {strides = array<i32>} : memref<128x128xf32, #tpu.memory_space<vmem>>, vector<1x16xf32>,
        %get3A_1162 = arith.index_cast %add3A_1106 : i32 to index
        %get3A_1163 = arith.constant 80 : index
        %get3A_1164 = tpu.vector_load %arg12[%get3A_1162, %get3A_1163] {strides = array<i32>} : memref<128x128xf32, #tpu.memory_space<vmem>>, vector<1x16xf32>,
        %get3A_1165 = vector.shape_cast %get3A_1164 : vector<1x16xf32> to vector<16xf32>
        %mul3A_1166 = arith.mulf %get3A_1165, %gather3A_1111 : vector<16xf32>
        %swap3A_1167 = arith.index_cast %add3A_1106 : i32 to index
        %swap3A_1168 = arith.constant 80 : index
        %swap3A_1169 = tpu.vector_load %arg12[%swap3A_1167, %swap3A_1168] {strides = array<i32>} : memref<128x128xf32, #tpu.memory_space<vmem>>, vector<1x16xf32>,
        %swap3A_1170 = vector.shape_cast %swap3A_1169 : vector<1x16xf32> to vector<16xf32>
        %swap3A_1171 = vector.shape_cast %mul3A_1166 : vector<16xf32> to vector<1x16xf32>
        tpu.vector_store %arg12[%swap3A_1167, %swap3A_1168], %swap3A_1171 {strides = array<i32>} : memref<128x128xf32, #tpu.memory_space<vmem>>, vector<1x16xf32>,
        %get3A_1172 = arith.index_cast %add3A_1106 : i32 to index
        %get3A_1173 = arith.constant 96 : index
        %get3A_1174 = tpu.vector_load %arg12[%get3A_1172, %get3A_1173] {strides = array<i32>} : memref<128x128xf32, #tpu.memory_space<vmem>>, vector<1x16xf32>,
        %get3A_1175 = vector.shape_cast %get3A_1174 : vector<1x16xf32> to vector<16xf32>
        %mul3A_1176 = arith.mulf %get3A_1175, %gather3A_1111 : vector<16xf32>
        %swap3A_1177 = arith.index_cast %add3A_1106 : i32 to index
        %swap3A_1178 = arith.constant 96 : index
        %swap3A_1179 = tpu.vector_load %arg12[%swap3A_1177, %swap3A_1178] {strides = array<i32>} : memref<128x128xf32, #tpu.memory_space<vmem>>, vector<1x16xf32>,
        %swap3A_1180 = vector.shape_cast %swap3A_1179 : vector<1x16xf32> to vector<16xf32>
        %swap3A_1181 = vector.shape_cast %mul3A_1176 : vector<16xf32> to vector<1x16xf32>
        tpu.vector_store %arg12[%swap3A_1177, %swap3A_1178], %swap3A_1181 {strides = array<i32>} : memref<128x128xf32, #tpu.memory_space<vmem>>, vector<1x16xf32>,
        %get3A_1182 = arith.index_cast %add3A_1106 : i32 to index
        %get3A_1183 = arith.constant 112 : index
        %get3A_1184 = tpu.vector_load %arg12[%get3A_1182, %get3A_1183] {strides = array<i32>} : memref<128x128xf32, #tpu.memory_space<vmem>>, vector<1x16xf32>,
        %get3A_1185 = vector.shape_cast %get3A_1184 : vector<1x16xf32> to vector<16xf32>
        %mul3A_1186 = arith.mulf %get3A_1185, %gather3A_1111 : vector<16xf32>
        %swap3A_1187 = arith.index_cast %add3A_1106 : i32 to index
        %swap3A_1188 = arith.constant 112 : index
        %swap3A_1189 = tpu.vector_load %arg12[%swap3A_1187, %swap3A_1188] {strides = array<i32>} : memref<128x128xf32, #tpu.memory_space<vmem>>, vector<1x16xf32>,
        %swap3A_1190 = vector.shape_cast %swap3A_1189 : vector<1x16xf32> to vector<16xf32>
        %swap3A_1191 = vector.shape_cast %mul3A_1186 : vector<16xf32> to vector<1x16xf32>
        tpu.vector_store %arg12[%swap3A_1187, %swap3A_1188], %swap3A_1191 {strides = array<i32>} : memref<128x128xf32, #tpu.memory_space<vmem>>, vector<1x16xf32>,
        %mul3A_1192 = arith.constant 16 : i32
        %mul3A_1193 = arith.muli %scan3A_33, %mul3A_1192 : i32
        %add3A_1194 = arith.constant 13 : i32
        %add3A_1195 = arith.addi %mul3A_1193, %add3A_1194 : i32
        %broadcast_in_dim3A_1196 = arith.constant 13 : i32
        %broadcast_in_dim3A_1197 = vector.broadcast %broadcast_in_dim3A_1196 : i32 to vector<16xi32>
        %broadcast_in_dim3A_1198 = vector.shape_cast %broadcast_in_dim3A_1197 : vector<16xi32> to vector<16x1xi32>
        %gather3A_1199 = vector.shape_cast %broadcast_in_dim3A_1198 : vector<16x1xi32> to vector<16xi32>
        %gather3A_1200 = tpu.dynamic_gather %get3A_38[%gather3A_1199] in [0] : vector<16xf32>, vector<16xi32> -> vector<16xf32>
        %get3A_1201 = arith.index_cast %add3A_1195 : i32 to index
        %get3A_1202 = arith.constant 0 : index
        %get3A_1203 = tpu.vector_load %arg12[%get3A_1201, %get3A_1202] {strides = array<i32>} : memref<128x128xf32, #tpu.memory_space<vmem>>, vector<1x16xf32>,
        %get3A_1204 = vector.shape_cast %get3A_1203 : vector<1x16xf32> to vector<16xf32>
        %mul3A_1205 = arith.mulf %get3A_1204, %gather3A_1200 : vector<16xf32>
        %swap3A_1206 = arith.index_cast %add3A_1195 : i32 to index
        %swap3A_1207 = arith.constant 0 : index
        %swap3A_1208 = tpu.vector_load %arg12[%swap3A_1206, %swap3A_1207] {strides = array<i32>} : memref<128x128xf32, #tpu.memory_space<vmem>>, vector<1x16xf32>,
        %swap3A_1209 = vector.shape_cast %swap3A_1208 : vector<1x16xf32> to vector<16xf32>
        %swap3A_1210 = vector.shape_cast %mul3A_1205 : vector<16xf32> to vector<1x16xf32>
        tpu.vector_store %arg12[%swap3A_1206, %swap3A_1207], %swap3A_1210 {strides = array<i32>} : memref<128x128xf32, #tpu.memory_space<vmem>>, vector<1x16xf32>,
        %get3A_1211 = arith.index_cast %add3A_1195 : i32 to index
        %get3A_1212 = arith.constant 16 : index
        %get3A_1213 = tpu.vector_load %arg12[%get3A_1211, %get3A_1212] {strides = array<i32>} : memref<128x128xf32, #tpu.memory_space<vmem>>, vector<1x16xf32>,
        %get3A_1214 = vector.shape_cast %get3A_1213 : vector<1x16xf32> to vector<16xf32>
        %mul3A_1215 = arith.mulf %get3A_1214, %gather3A_1200 : vector<16xf32>
        %swap3A_1216 = arith.index_cast %add3A_1195 : i32 to index
        %swap3A_1217 = arith.constant 16 : index
        %swap3A_1218 = tpu.vector_load %arg12[%swap3A_1216, %swap3A_1217] {strides = array<i32>} : memref<128x128xf32, #tpu.memory_space<vmem>>, vector<1x16xf32>,
        %swap3A_1219 = vector.shape_cast %swap3A_1218 : vector<1x16xf32> to vector<16xf32>
        %swap3A_1220 = vector.shape_cast %mul3A_1215 : vector<16xf32> to vector<1x16xf32>
        tpu.vector_store %arg12[%swap3A_1216, %swap3A_1217], %swap3A_1220 {strides = array<i32>} : memref<128x128xf32, #tpu.memory_space<vmem>>, vector<1x16xf32>,
        %get3A_1221 = arith.index_cast %add3A_1195 : i32 to index
        %get3A_1222 = arith.constant 32 : index
        %get3A_1223 = tpu.vector_load %arg12[%get3A_1221, %get3A_1222] {strides = array<i32>} : memref<128x128xf32, #tpu.memory_space<vmem>>, vector<1x16xf32>,
        %get3A_1224 = vector.shape_cast %get3A_1223 : vector<1x16xf32> to vector<16xf32>
        %mul3A_1225 = arith.mulf %get3A_1224, %gather3A_1200 : vector<16xf32>
        %swap3A_1226 = arith.index_cast %add3A_1195 : i32 to index
        %swap3A_1227 = arith.constant 32 : index
        %swap3A_1228 = tpu.vector_load %arg12[%swap3A_1226, %swap3A_1227] {strides = array<i32>} : memref<128x128xf32, #tpu.memory_space<vmem>>, vector<1x16xf32>,
        %swap3A_1229 = vector.shape_cast %swap3A_1228 : vector<1x16xf32> to vector<16xf32>
        %swap3A_1230 = vector.shape_cast %mul3A_1225 : vector<16xf32> to vector<1x16xf32>
        tpu.vector_store %arg12[%swap3A_1226, %swap3A_1227], %swap3A_1230 {strides = array<i32>} : memref<128x128xf32, #tpu.memory_space<vmem>>, vector<1x16xf32>,
        %get3A_1231 = arith.index_cast %add3A_1195 : i32 to index
        %get3A_1232 = arith.constant 48 : index
        %get3A_1233 = tpu.vector_load %arg12[%get3A_1231, %get3A_1232] {strides = array<i32>} : memref<128x128xf32, #tpu.memory_space<vmem>>, vector<1x16xf32>,
        %get3A_1234 = vector.shape_cast %get3A_1233 : vector<1x16xf32> to vector<16xf32>
        %mul3A_1235 = arith.mulf %get3A_1234, %gather3A_1200 : vector<16xf32>
        %swap3A_1236 = arith.index_cast %add3A_1195 : i32 to index
        %swap3A_1237 = arith.constant 48 : index
        %swap3A_1238 = tpu.vector_load %arg12[%swap3A_1236, %swap3A_1237] {strides = array<i32>} : memref<128x128xf32, #tpu.memory_space<vmem>>, vector<1x16xf32>,
        %swap3A_1239 = vector.shape_cast %swap3A_1238 : vector<1x16xf32> to vector<16xf32>
        %swap3A_1240 = vector.shape_cast %mul3A_1235 : vector<16xf32> to vector<1x16xf32>
        tpu.vector_store %arg12[%swap3A_1236, %swap3A_1237], %swap3A_1240 {strides = array<i32>} : memref<128x128xf32, #tpu.memory_space<vmem>>, vector<1x16xf32>,
        %get3A_1241 = arith.index_cast %add3A_1195 : i32 to index
        %get3A_1242 = arith.constant 64 : index
        %get3A_1243 = tpu.vector_load %arg12[%get3A_1241, %get3A_1242] {strides = array<i32>} : memref<128x128xf32, #tpu.memory_space<vmem>>, vector<1x16xf32>,
        %get3A_1244 = vector.shape_cast %get3A_1243 : vector<1x16xf32> to vector<16xf32>
        %mul3A_1245 = arith.mulf %get3A_1244, %gather3A_1200 : vector<16xf32>
        %swap3A_1246 = arith.index_cast %add3A_1195 : i32 to index
        %swap3A_1247 = arith.constant 64 : index
        %swap3A_1248 = tpu.vector_load %arg12[%swap3A_1246, %swap3A_1247] {strides = array<i32>} : memref<128x128xf32, #tpu.memory_space<vmem>>, vector<1x16xf32>,
        %swap3A_1249 = vector.shape_cast %swap3A_1248 : vector<1x16xf32> to vector<16xf32>
        %swap3A_1250 = vector.shape_cast %mul3A_1245 : vector<16xf32> to vector<1x16xf32>
        tpu.vector_store %arg12[%swap3A_1246, %swap3A_1247], %swap3A_1250 {strides = array<i32>} : memref<128x128xf32, #tpu.memory_space<vmem>>, vector<1x16xf32>,
        %get3A_1251 = arith.index_cast %add3A_1195 : i32 to index
        %get3A_1252 = arith.constant 80 : index
        %get3A_1253 = tpu.vector_load %arg12[%get3A_1251, %get3A_1252] {strides = array<i32>} : memref<128x128xf32, #tpu.memory_space<vmem>>, vector<1x16xf32>,
        %get3A_1254 = vector.shape_cast %get3A_1253 : vector<1x16xf32> to vector<16xf32>
        %mul3A_1255 = arith.mulf %get3A_1254, %gather3A_1200 : vector<16xf32>
        %swap3A_1256 = arith.index_cast %add3A_1195 : i32 to index
        %swap3A_1257 = arith.constant 80 : index
        %swap3A_1258 = tpu.vector_load %arg12[%swap3A_1256, %swap3A_1257] {strides = array<i32>} : memref<128x128xf32, #tpu.memory_space<vmem>>, vector<1x16xf32>,
        %swap3A_1259 = vector.shape_cast %swap3A_1258 : vector<1x16xf32> to vector<16xf32>
        %swap3A_1260 = vector.shape_cast %mul3A_1255 : vector<16xf32> to vector<1x16xf32>
        tpu.vector_store %arg12[%swap3A_1256, %swap3A_1257], %swap3A_1260 {strides = array<i32>} : memref<128x128xf32, #tpu.memory_space<vmem>>, vector<1x16xf32>,
        %get3A_1261 = arith.index_cast %add3A_1195 : i32 to index
        %get3A_1262 = arith.constant 96 : index
        %get3A_1263 = tpu.vector_load %arg12[%get3A_1261, %get3A_1262] {strides = array<i32>} : memref<128x128xf32, #tpu.memory_space<vmem>>, vector<1x16xf32>,
        %get3A_1264 = vector.shape_cast %get3A_1263 : vector<1x16xf32> to vector<16xf32>
        %mul3A_1265 = arith.mulf %get3A_1264, %gather3A_1200 : vector<16xf32>
        %swap3A_1266 = arith.index_cast %add3A_1195 : i32 to index
        %swap3A_1267 = arith.constant 96 : index
        %swap3A_1268 = tpu.vector_load %arg12[%swap3A_1266, %swap3A_1267] {strides = array<i32>} : memref<128x128xf32, #tpu.memory_space<vmem>>, vector<1x16xf32>,
        %swap3A_1269 = vector.shape_cast %swap3A_1268 : vector<1x16xf32> to vector<16xf32>
        %swap3A_1270 = vector.shape_cast %mul3A_1265 : vector<16xf32> to vector<1x16xf32>
        tpu.vector_store %arg12[%swap3A_1266, %swap3A_1267], %swap3A_1270 {strides = array<i32>} : memref<128x128xf32, #tpu.memory_space<vmem>>, vector<1x16xf32>,
        %get3A_1271 = arith.index_cast %add3A_1195 : i32 to index
        %get3A_1272 = arith.constant 112 : index
        %get3A_1273 = tpu.vector_load %arg12[%get3A_1271, %get3A_1272] {strides = array<i32>} : memref<128x128xf32, #tpu.memory_space<vmem>>, vector<1x16xf32>,
        %get3A_1274 = vector.shape_cast %get3A_1273 : vector<1x16xf32> to vector<16xf32>
        %mul3A_1275 = arith.mulf %get3A_1274, %gather3A_1200 : vector<16xf32>
        %swap3A_1276 = arith.index_cast %add3A_1195 : i32 to index
        %swap3A_1277 = arith.constant 112 : index
        %swap3A_1278 = tpu.vector_load %arg12[%swap3A_1276, %swap3A_1277] {strides = array<i32>} : memref<128x128xf32, #tpu.memory_space<vmem>>, vector<1x16xf32>,
        %swap3A_1279 = vector.shape_cast %swap3A_1278 : vector<1x16xf32> to vector<16xf32>
        %swap3A_1280 = vector.shape_cast %mul3A_1275 : vector<16xf32> to vector<1x16xf32>
        tpu.vector_store %arg12[%swap3A_1276, %swap3A_1277], %swap3A_1280 {strides = array<i32>} : memref<128x128xf32, #tpu.memory_space<vmem>>, vector<1x16xf32>,
        %mul3A_1281 = arith.constant 16 : i32
        %mul3A_1282 = arith.muli %scan3A_33, %mul3A_1281 : i32
        %add3A_1283 = arith.constant 14 : i32
        %add3A_1284 = arith.addi %mul3A_1282, %add3A_1283 : i32
        %broadcast_in_dim3A_1285 = arith.constant 14 : i32
        %broadcast_in_dim3A_1286 = vector.broadcast %broadcast_in_dim3A_1285 : i32 to vector<16xi32>
        %broadcast_in_dim3A_1287 = vector.shape_cast %broadcast_in_dim3A_1286 : vector<16xi32> to vector<16x1xi32>
        %gather3A_1288 = vector.shape_cast %broadcast_in_dim3A_1287 : vector<16x1xi32> to vector<16xi32>
        %gather3A_1289 = tpu.dynamic_gather %get3A_38[%gather3A_1288] in [0] : vector<16xf32>, vector<16xi32> -> vector<16xf32>
        %get3A_1290 = arith.index_cast %add3A_1284 : i32 to index
        %get3A_1291 = arith.constant 0 : index
        %get3A_1292 = tpu.vector_load %arg12[%get3A_1290, %get3A_1291] {strides = array<i32>} : memref<128x128xf32, #tpu.memory_space<vmem>>, vector<1x16xf32>,
        %get3A_1293 = vector.shape_cast %get3A_1292 : vector<1x16xf32> to vector<16xf32>
        %mul3A_1294 = arith.mulf %get3A_1293, %gather3A_1289 : vector<16xf32>
        %swap3A_1295 = arith.index_cast %add3A_1284 : i32 to index
        %swap3A_1296 = arith.constant 0 : index
        %swap3A_1297 = tpu.vector_load %arg12[%swap3A_1295, %swap3A_1296] {strides = array<i32>} : memref<128x128xf32, #tpu.memory_space<vmem>>, vector<1x16xf32>,
        %swap3A_1298 = vector.shape_cast %swap3A_1297 : vector<1x16xf32> to vector<16xf32>
        %swap3A_1299 = vector.shape_cast %mul3A_1294 : vector<16xf32> to vector<1x16xf32>
        tpu.vector_store %arg12[%swap3A_1295, %swap3A_1296], %swap3A_1299 {strides = array<i32>} : memref<128x128xf32, #tpu.memory_space<vmem>>, vector<1x16xf32>,
        %get3A_1300 = arith.index_cast %add3A_1284 : i32 to index
        %get3A_1301 = arith.constant 16 : index
        %get3A_1302 = tpu.vector_load %arg12[%get3A_1300, %get3A_1301] {strides = array<i32>} : memref<128x128xf32, #tpu.memory_space<vmem>>, vector<1x16xf32>,
        %get3A_1303 = vector.shape_cast %get3A_1302 : vector<1x16xf32> to vector<16xf32>
        %mul3A_1304 = arith.mulf %get3A_1303, %gather3A_1289 : vector<16xf32>
        %swap3A_1305 = arith.index_cast %add3A_1284 : i32 to index
        %swap3A_1306 = arith.constant 16 : index
        %swap3A_1307 = tpu.vector_load %arg12[%swap3A_1305, %swap3A_1306] {strides = array<i32>} : memref<128x128xf32, #tpu.memory_space<vmem>>, vector<1x16xf32>,
        %swap3A_1308 = vector.shape_cast %swap3A_1307 : vector<1x16xf32> to vector<16xf32>
        %swap3A_1309 = vector.shape_cast %mul3A_1304 : vector<16xf32> to vector<1x16xf32>
        tpu.vector_store %arg12[%swap3A_1305, %swap3A_1306], %swap3A_1309 {strides = array<i32>} : memref<128x128xf32, #tpu.memory_space<vmem>>, vector<1x16xf32>,
        %get3A_1310 = arith.index_cast %add3A_1284 : i32 to index
        %get3A_1311 = arith.constant 32 : index
        %get3A_1312 = tpu.vector_load %arg12[%get3A_1310, %get3A_1311] {strides = array<i32>} : memref<128x128xf32, #tpu.memory_space<vmem>>, vector<1x16xf32>,
        %get3A_1313 = vector.shape_cast %get3A_1312 : vector<1x16xf32> to vector<16xf32>
        %mul3A_1314 = arith.mulf %get3A_1313, %gather3A_1289 : vector<16xf32>
        %swap3A_1315 = arith.index_cast %add3A_1284 : i32 to index
        %swap3A_1316 = arith.constant 32 : index
        %swap3A_1317 = tpu.vector_load %arg12[%swap3A_1315, %swap3A_1316] {strides = array<i32>} : memref<128x128xf32, #tpu.memory_space<vmem>>, vector<1x16xf32>,
        %swap3A_1318 = vector.shape_cast %swap3A_1317 : vector<1x16xf32> to vector<16xf32>
        %swap3A_1319 = vector.shape_cast %mul3A_1314 : vector<16xf32> to vector<1x16xf32>
        tpu.vector_store %arg12[%swap3A_1315, %swap3A_1316], %swap3A_1319 {strides = array<i32>} : memref<128x128xf32, #tpu.memory_space<vmem>>, vector<1x16xf32>,
        %get3A_1320 = arith.index_cast %add3A_1284 : i32 to index
        %get3A_1321 = arith.constant 48 : index
        %get3A_1322 = tpu.vector_load %arg12[%get3A_1320, %get3A_1321] {strides = array<i32>} : memref<128x128xf32, #tpu.memory_space<vmem>>, vector<1x16xf32>,
        %get3A_1323 = vector.shape_cast %get3A_1322 : vector<1x16xf32> to vector<16xf32>
        %mul3A_1324 = arith.mulf %get3A_1323, %gather3A_1289 : vector<16xf32>
        %swap3A_1325 = arith.index_cast %add3A_1284 : i32 to index
        %swap3A_1326 = arith.constant 48 : index
        %swap3A_1327 = tpu.vector_load %arg12[%swap3A_1325, %swap3A_1326] {strides = array<i32>} : memref<128x128xf32, #tpu.memory_space<vmem>>, vector<1x16xf32>,
        %swap3A_1328 = vector.shape_cast %swap3A_1327 : vector<1x16xf32> to vector<16xf32>
        %swap3A_1329 = vector.shape_cast %mul3A_1324 : vector<16xf32> to vector<1x16xf32>
        tpu.vector_store %arg12[%swap3A_1325, %swap3A_1326], %swap3A_1329 {strides = array<i32>} : memref<128x128xf32, #tpu.memory_space<vmem>>, vector<1x16xf32>,
        %get3A_1330 = arith.index_cast %add3A_1284 : i32 to index
        %get3A_1331 = arith.constant 64 : index
        %get3A_1332 = tpu.vector_load %arg12[%get3A_1330, %get3A_1331] {strides = array<i32>} : memref<128x128xf32, #tpu.memory_space<vmem>>, vector<1x16xf32>,
        %get3A_1333 = vector.shape_cast %get3A_1332 : vector<1x16xf32> to vector<16xf32>
        %mul3A_1334 = arith.mulf %get3A_1333, %gather3A_1289 : vector<16xf32>
        %swap3A_1335 = arith.index_cast %add3A_1284 : i32 to index
        %swap3A_1336 = arith.constant 64 : index
        %swap3A_1337 = tpu.vector_load %arg12[%swap3A_1335, %swap3A_1336] {strides = array<i32>} : memref<128x128xf32, #tpu.memory_space<vmem>>, vector<1x16xf32>,
        %swap3A_1338 = vector.shape_cast %swap3A_1337 : vector<1x16xf32> to vector<16xf32>
        %swap3A_1339 = vector.shape_cast %mul3A_1334 : vector<16xf32> to vector<1x16xf32>
        tpu.vector_store %arg12[%swap3A_1335, %swap3A_1336], %swap3A_1339 {strides = array<i32>} : memref<128x128xf32, #tpu.memory_space<vmem>>, vector<1x16xf32>,
        %get3A_1340 = arith.index_cast %add3A_1284 : i32 to index
        %get3A_1341 = arith.constant 80 : index
        %get3A_1342 = tpu.vector_load %arg12[%get3A_1340, %get3A_1341] {strides = array<i32>} : memref<128x128xf32, #tpu.memory_space<vmem>>, vector<1x16xf32>,
        %get3A_1343 = vector.shape_cast %get3A_1342 : vector<1x16xf32> to vector<16xf32>
        %mul3A_1344 = arith.mulf %get3A_1343, %gather3A_1289 : vector<16xf32>
        %swap3A_1345 = arith.index_cast %add3A_1284 : i32 to index
        %swap3A_1346 = arith.constant 80 : index
        %swap3A_1347 = tpu.vector_load %arg12[%swap3A_1345, %swap3A_1346] {strides = array<i32>} : memref<128x128xf32, #tpu.memory_space<vmem>>, vector<1x16xf32>,
        %swap3A_1348 = vector.shape_cast %swap3A_1347 : vector<1x16xf32> to vector<16xf32>
        %swap3A_1349 = vector.shape_cast %mul3A_1344 : vector<16xf32> to vector<1x16xf32>
        tpu.vector_store %arg12[%swap3A_1345, %swap3A_1346], %swap3A_1349 {strides = array<i32>} : memref<128x128xf32, #tpu.memory_space<vmem>>, vector<1x16xf32>,
        %get3A_1350 = arith.index_cast %add3A_1284 : i32 to index
        %get3A_1351 = arith.constant 96 : index
        %get3A_1352 = tpu.vector_load %arg12[%get3A_1350, %get3A_1351] {strides = array<i32>} : memref<128x128xf32, #tpu.memory_space<vmem>>, vector<1x16xf32>,
        %get3A_1353 = vector.shape_cast %get3A_1352 : vector<1x16xf32> to vector<16xf32>
        %mul3A_1354 = arith.mulf %get3A_1353, %gather3A_1289 : vector<16xf32>
        %swap3A_1355 = arith.index_cast %add3A_1284 : i32 to index
        %swap3A_1356 = arith.constant 96 : index
        %swap3A_1357 = tpu.vector_load %arg12[%swap3A_1355, %swap3A_1356] {strides = array<i32>} : memref<128x128xf32, #tpu.memory_space<vmem>>, vector<1x16xf32>,
        %swap3A_1358 = vector.shape_cast %swap3A_1357 : vector<1x16xf32> to vector<16xf32>
        %swap3A_1359 = vector.shape_cast %mul3A_1354 : vector<16xf32> to vector<1x16xf32>
        tpu.vector_store %arg12[%swap3A_1355, %swap3A_1356], %swap3A_1359 {strides = array<i32>} : memref<128x128xf32, #tpu.memory_space<vmem>>, vector<1x16xf32>,
        %get3A_1360 = arith.index_cast %add3A_1284 : i32 to index
        %get3A_1361 = arith.constant 112 : index
        %get3A_1362 = tpu.vector_load %arg12[%get3A_1360, %get3A_1361] {strides = array<i32>} : memref<128x128xf32, #tpu.memory_space<vmem>>, vector<1x16xf32>,
        %get3A_1363 = vector.shape_cast %get3A_1362 : vector<1x16xf32> to vector<16xf32>
        %mul3A_1364 = arith.mulf %get3A_1363, %gather3A_1289 : vector<16xf32>
        %swap3A_1365 = arith.index_cast %add3A_1284 : i32 to index
        %swap3A_1366 = arith.constant 112 : index
        %swap3A_1367 = tpu.vector_load %arg12[%swap3A_1365, %swap3A_1366] {strides = array<i32>} : memref<128x128xf32, #tpu.memory_space<vmem>>, vector<1x16xf32>,
        %swap3A_1368 = vector.shape_cast %swap3A_1367 : vector<1x16xf32> to vector<16xf32>
        %swap3A_1369 = vector.shape_cast %mul3A_1364 : vector<16xf32> to vector<1x16xf32>
        tpu.vector_store %arg12[%swap3A_1365, %swap3A_1366], %swap3A_1369 {strides = array<i32>} : memref<128x128xf32, #tpu.memory_space<vmem>>, vector<1x16xf32>,
        %mul3A_1370 = arith.constant 16 : i32
        %mul3A_1371 = arith.muli %scan3A_33, %mul3A_1370 : i32
        %add3A_1372 = arith.constant 15 : i32
        %add3A_1373 = arith.addi %mul3A_1371, %add3A_1372 : i32
        %broadcast_in_dim3A_1374 = arith.constant 15 : i32
        %broadcast_in_dim3A_1375 = vector.broadcast %broadcast_in_dim3A_1374 : i32 to vector<16xi32>
        %broadcast_in_dim3A_1376 = vector.shape_cast %broadcast_in_dim3A_1375 : vector<16xi32> to vector<16x1xi32>
        %gather3A_1377 = vector.shape_cast %broadcast_in_dim3A_1376 : vector<16x1xi32> to vector<16xi32>
        %gather3A_1378 = tpu.dynamic_gather %get3A_38[%gather3A_1377] in [0] : vector<16xf32>, vector<16xi32> -> vector<16xf32>
        %get3A_1379 = arith.index_cast %add3A_1373 : i32 to index
        %get3A_1380 = arith.constant 0 : index
        %get3A_1381 = tpu.vector_load %arg12[%get3A_1379, %get3A_1380] {strides = array<i32>} : memref<128x128xf32, #tpu.memory_space<vmem>>, vector<1x16xf32>,
        %get3A_1382 = vector.shape_cast %get3A_1381 : vector<1x16xf32> to vector<16xf32>
        %mul3A_1383 = arith.mulf %get3A_1382, %gather3A_1378 : vector<16xf32>
        %swap3A_1384 = arith.index_cast %add3A_1373 : i32 to index
        %swap3A_1385 = arith.constant 0 : index
        %swap3A_1386 = tpu.vector_load %arg12[%swap3A_1384, %swap3A_1385] {strides = array<i32>} : memref<128x128xf32, #tpu.memory_space<vmem>>, vector<1x16xf32>,
        %swap3A_1387 = vector.shape_cast %swap3A_1386 : vector<1x16xf32> to vector<16xf32>
        %swap3A_1388 = vector.shape_cast %mul3A_1383 : vector<16xf32> to vector<1x16xf32>
        tpu.vector_store %arg12[%swap3A_1384, %swap3A_1385], %swap3A_1388 {strides = array<i32>} : memref<128x128xf32, #tpu.memory_space<vmem>>, vector<1x16xf32>,
        %get3A_1389 = arith.index_cast %add3A_1373 : i32 to index
        %get3A_1390 = arith.constant 16 : index
        %get3A_1391 = tpu.vector_load %arg12[%get3A_1389, %get3A_1390] {strides = array<i32>} : memref<128x128xf32, #tpu.memory_space<vmem>>, vector<1x16xf32>,
        %get3A_1392 = vector.shape_cast %get3A_1391 : vector<1x16xf32> to vector<16xf32>
        %mul3A_1393 = arith.mulf %get3A_1392, %gather3A_1378 : vector<16xf32>
        %swap3A_1394 = arith.index_cast %add3A_1373 : i32 to index
        %swap3A_1395 = arith.constant 16 : index
        %swap3A_1396 = tpu.vector_load %arg12[%swap3A_1394, %swap3A_1395] {strides = array<i32>} : memref<128x128xf32, #tpu.memory_space<vmem>>, vector<1x16xf32>,
        %swap3A_1397 = vector.shape_cast %swap3A_1396 : vector<1x16xf32> to vector<16xf32>
        %swap3A_1398 = vector.shape_cast %mul3A_1393 : vector<16xf32> to vector<1x16xf32>
        tpu.vector_store %arg12[%swap3A_1394, %swap3A_1395], %swap3A_1398 {strides = array<i32>} : memref<128x128xf32, #tpu.memory_space<vmem>>, vector<1x16xf32>,
        %get3A_1399 = arith.index_cast %add3A_1373 : i32 to index
        %get3A_1400 = arith.constant 32 : index
        %get3A_1401 = tpu.vector_load %arg12[%get3A_1399, %get3A_1400] {strides = array<i32>} : memref<128x128xf32, #tpu.memory_space<vmem>>, vector<1x16xf32>,
        %get3A_1402 = vector.shape_cast %get3A_1401 : vector<1x16xf32> to vector<16xf32>
        %mul3A_1403 = arith.mulf %get3A_1402, %gather3A_1378 : vector<16xf32>
        %swap3A_1404 = arith.index_cast %add3A_1373 : i32 to index
        %swap3A_1405 = arith.constant 32 : index
        %swap3A_1406 = tpu.vector_load %arg12[%swap3A_1404, %swap3A_1405] {strides = array<i32>} : memref<128x128xf32, #tpu.memory_space<vmem>>, vector<1x16xf32>,
        %swap3A_1407 = vector.shape_cast %swap3A_1406 : vector<1x16xf32> to vector<16xf32>
        %swap3A_1408 = vector.shape_cast %mul3A_1403 : vector<16xf32> to vector<1x16xf32>
        tpu.vector_store %arg12[%swap3A_1404, %swap3A_1405], %swap3A_1408 {strides = array<i32>} : memref<128x128xf32, #tpu.memory_space<vmem>>, vector<1x16xf32>,
        %get3A_1409 = arith.index_cast %add3A_1373 : i32 to index
        %get3A_1410 = arith.constant 48 : index
        %get3A_1411 = tpu.vector_load %arg12[%get3A_1409, %get3A_1410] {strides = array<i32>} : memref<128x128xf32, #tpu.memory_space<vmem>>, vector<1x16xf32>,
        %get3A_1412 = vector.shape_cast %get3A_1411 : vector<1x16xf32> to vector<16xf32>
        %mul3A_1413 = arith.mulf %get3A_1412, %gather3A_1378 : vector<16xf32>
        %swap3A_1414 = arith.index_cast %add3A_1373 : i32 to index
        %swap3A_1415 = arith.constant 48 : index
        %swap3A_1416 = tpu.vector_load %arg12[%swap3A_1414, %swap3A_1415] {strides = array<i32>} : memref<128x128xf32, #tpu.memory_space<vmem>>, vector<1x16xf32>,
        %swap3A_1417 = vector.shape_cast %swap3A_1416 : vector<1x16xf32> to vector<16xf32>
        %swap3A_1418 = vector.shape_cast %mul3A_1413 : vector<16xf32> to vector<1x16xf32>
        tpu.vector_store %arg12[%swap3A_1414, %swap3A_1415], %swap3A_1418 {strides = array<i32>} : memref<128x128xf32, #tpu.memory_space<vmem>>, vector<1x16xf32>,
        %get3A_1419 = arith.index_cast %add3A_1373 : i32 to index
        %get3A_1420 = arith.constant 64 : index
        %get3A_1421 = tpu.vector_load %arg12[%get3A_1419, %get3A_1420] {strides = array<i32>} : memref<128x128xf32, #tpu.memory_space<vmem>>, vector<1x16xf32>,
        %get3A_1422 = vector.shape_cast %get3A_1421 : vector<1x16xf32> to vector<16xf32>
        %mul3A_1423 = arith.mulf %get3A_1422, %gather3A_1378 : vector<16xf32>
        %swap3A_1424 = arith.index_cast %add3A_1373 : i32 to index
        %swap3A_1425 = arith.constant 64 : index
        %swap3A_1426 = tpu.vector_load %arg12[%swap3A_1424, %swap3A_1425] {strides = array<i32>} : memref<128x128xf32, #tpu.memory_space<vmem>>, vector<1x16xf32>,
        %swap3A_1427 = vector.shape_cast %swap3A_1426 : vector<1x16xf32> to vector<16xf32>
        %swap3A_1428 = vector.shape_cast %mul3A_1423 : vector<16xf32> to vector<1x16xf32>
        tpu.vector_store %arg12[%swap3A_1424, %swap3A_1425], %swap3A_1428 {strides = array<i32>} : memref<128x128xf32, #tpu.memory_space<vmem>>, vector<1x16xf32>,
        %get3A_1429 = arith.index_cast %add3A_1373 : i32 to index
        %get3A_1430 = arith.constant 80 : index
        %get3A_1431 = tpu.vector_load %arg12[%get3A_1429, %get3A_1430] {strides = array<i32>} : memref<128x128xf32, #tpu.memory_space<vmem>>, vector<1x16xf32>,
        %get3A_1432 = vector.shape_cast %get3A_1431 : vector<1x16xf32> to vector<16xf32>
        %mul3A_1433 = arith.mulf %get3A_1432, %gather3A_1378 : vector<16xf32>
        %swap3A_1434 = arith.index_cast %add3A_1373 : i32 to index
        %swap3A_1435 = arith.constant 80 : index
        %swap3A_1436 = tpu.vector_load %arg12[%swap3A_1434, %swap3A_1435] {strides = array<i32>} : memref<128x128xf32, #tpu.memory_space<vmem>>, vector<1x16xf32>,
        %swap3A_1437 = vector.shape_cast %swap3A_1436 : vector<1x16xf32> to vector<16xf32>
        %swap3A_1438 = vector.shape_cast %mul3A_1433 : vector<16xf32> to vector<1x16xf32>
        tpu.vector_store %arg12[%swap3A_1434, %swap3A_1435], %swap3A_1438 {strides = array<i32>} : memref<128x128xf32, #tpu.memory_space<vmem>>, vector<1x16xf32>,
        %get3A_1439 = arith.index_cast %add3A_1373 : i32 to index
        %get3A_1440 = arith.constant 96 : index
        %get3A_1441 = tpu.vector_load %arg12[%get3A_1439, %get3A_1440] {strides = array<i32>} : memref<128x128xf32, #tpu.memory_space<vmem>>, vector<1x16xf32>,
        %get3A_1442 = vector.shape_cast %get3A_1441 : vector<1x16xf32> to vector<16xf32>
        %mul3A_1443 = arith.mulf %get3A_1442, %gather3A_1378 : vector<16xf32>
        %swap3A_1444 = arith.index_cast %add3A_1373 : i32 to index
        %swap3A_1445 = arith.constant 96 : index
        %swap3A_1446 = tpu.vector_load %arg12[%swap3A_1444, %swap3A_1445] {strides = array<i32>} : memref<128x128xf32, #tpu.memory_space<vmem>>, vector<1x16xf32>,
        %swap3A_1447 = vector.shape_cast %swap3A_1446 : vector<1x16xf32> to vector<16xf32>
        %swap3A_1448 = vector.shape_cast %mul3A_1443 : vector<16xf32> to vector<1x16xf32>
        tpu.vector_store %arg12[%swap3A_1444, %swap3A_1445], %swap3A_1448 {strides = array<i32>} : memref<128x128xf32, #tpu.memory_space<vmem>>, vector<1x16xf32>,
        %get3A_1449 = arith.index_cast %add3A_1373 : i32 to index
        %get3A_1450 = arith.constant 112 : index
        %get3A_1451 = tpu.vector_load %arg12[%get3A_1449, %get3A_1450] {strides = array<i32>} : memref<128x128xf32, #tpu.memory_space<vmem>>, vector<1x16xf32>,
        %get3A_1452 = vector.shape_cast %get3A_1451 : vector<1x16xf32> to vector<16xf32>
        %mul3A_1453 = arith.mulf %get3A_1452, %gather3A_1378 : vector<16xf32>
        %swap3A_1454 = arith.index_cast %add3A_1373 : i32 to index
        %swap3A_1455 = arith.constant 112 : index
        %swap3A_1456 = tpu.vector_load %arg12[%swap3A_1454, %swap3A_1455] {strides = array<i32>} : memref<128x128xf32, #tpu.memory_space<vmem>>, vector<1x16xf32>,
        %swap3A_1457 = vector.shape_cast %swap3A_1456 : vector<1x16xf32> to vector<16xf32>
        %swap3A_1458 = vector.shape_cast %mul3A_1453 : vector<16xf32> to vector<1x16xf32>
        tpu.vector_store %arg12[%swap3A_1454, %swap3A_1455], %swap3A_1458 {strides = array<i32>} : memref<128x128xf32, #tpu.memory_space<vmem>>, vector<1x16xf32>,
      }
      %scan3A_32 = arith.constant 8 : i32
      "tpu.region"() ({
        %run_scoped3A = tpu.sem_alloc : memref<!tpu.dma_semaphore, #tpu.memory_space<semaphore_mem>>
        %dma_start3A_33 = arith.constant 0 : i32
        %dma_start3A_34 = tpu.memref_slice %arg10[%scan3A_16, %dma_start3A_33] : memref<79x128xi32, #tpu.memory_space<vmem>> -> memref<1x128xi32, #tpu.memory_space<vmem>>
        %dma_start3A_35 = tpu.memref_squeeze %dma_start3A_34 : memref<1x128xi32, #tpu.memory_space<vmem>> -> memref<128xi32, #tpu.memory_space<vmem>>
        %dma_start3A_36 = arith.constant 0 : i32
        %dma_start3A_37 = arith.constant 0 : i32
        %dma_start3A_38 = tpu.memref_slice %arg8[%dma_start3A_36, %dma_start3A_37] : memref<10000x128xf32, #tpu.memory_space<vmem_shared>> -> memref<10000x128xf32, #tpu.memory_space<vmem_shared>>
        tpu.enqueue_indirect_dma source(%arg12 : memref<128x128xf32, #tpu.memory_space<vmem>>) target(%dma_start3A_38 : memref<10000x128xf32, #tpu.memory_space<vmem_shared>>) offsets(%dma_start3A_35 : memref<128xi32, #tpu.memory_space<vmem>>) semaphore(%run_scoped3A : memref<!tpu.dma_semaphore, #tpu.memory_space<semaphore_mem>>) {add = true}
        %dma_wait3A_39 = arith.constant 0 : i32
        %dma_wait3A_40 = tpu.memref_slice %arg10[%scan3A_16, %dma_wait3A_39] : memref<79x128xi32, #tpu.memory_space<vmem>> -> memref<1x128xi32, #tpu.memory_space<vmem>>
        %dma_wait3A_41 = tpu.memref_squeeze %dma_wait3A_40 : memref<1x128xi32, #tpu.memory_space<vmem>> -> memref<128xi32, #tpu.memory_space<vmem>>
        %dma_wait3A_42 = arith.constant 0 : i32
        %dma_wait3A_43 = arith.constant 0 : i32
        %dma_wait3A_44 = tpu.memref_slice %arg8[%dma_wait3A_42, %dma_wait3A_43] : memref<10000x128xf32, #tpu.memory_space<vmem_shared>> -> memref<10000x128xf32, #tpu.memory_space<vmem_shared>>
        tpu.wait_indirect_dma semaphore(%run_scoped3A : memref<!tpu.dma_semaphore, #tpu.memory_space<semaphore_mem>>) src(%arg12 : memref<128x128xf32, #tpu.memory_space<vmem>>) dst(%dma_wait3A_44 : memref<10000x128xf32, #tpu.memory_space<vmem_shared>>)
        tpu.yield
      }) : () -> ()
    }
    %scan3A_7 = arith.constant 79 : i32
    %barrier3A_8 = arith.constant 0 : index
    tpu.barrier barrier_id(%barrier3A_8)
    %mul3A_9 = arith.constant 624 : i32
    %mul3A_10 = arith.muli %arg1, %mul3A_9 : i32
    "tpu.region"() ({
      %run_scoped3A = tpu.sem_alloc : memref<!tpu.dma_semaphore, #tpu.memory_space<semaphore_mem>>
      %dma_start3A = arith.constant 0 : i32
      %dma_start3A_16 = tpu.memref_slice %arg7[%arg0, %mul3A_10, %dma_start3A] : memref<2x10000x128xf32, #tpu.memory_space<hbm>> -> memref<1x624x128xf32, #tpu.memory_space<hbm>>
      %dma_start3A_17 = tpu.memref_squeeze %dma_start3A_16 : memref<1x624x128xf32, #tpu.memory_space<hbm>> -> memref<624x128xf32, #tpu.memory_space<hbm>>
      %dma_start3A_18 = arith.constant 0 : i32
      %dma_start3A_19 = tpu.memref_slice %arg8[%mul3A_10, %dma_start3A_18] : memref<10000x128xf32, #tpu.memory_space<vmem_shared>> -> memref<624x128xf32, #tpu.memory_space<vmem_shared>>
      tpu.enqueue_dma source(%dma_start3A_19 : memref<624x128xf32, #tpu.memory_space<vmem_shared>>) target(%dma_start3A_17 : memref<624x128xf32, #tpu.memory_space<hbm>>) target_semaphore(%run_scoped3A : memref<!tpu.dma_semaphore, #tpu.memory_space<semaphore_mem>>)
      %dma_wait3A = arith.constant 0 : i32
      %dma_wait3A_20 = tpu.memref_slice %arg7[%arg0, %mul3A_10, %dma_wait3A] : memref<2x10000x128xf32, #tpu.memory_space<hbm>> -> memref<1x624x128xf32, #tpu.memory_space<hbm>>
      %dma_wait3A_21 = tpu.memref_squeeze %dma_wait3A_20 : memref<1x624x128xf32, #tpu.memory_space<hbm>> -> memref<624x128xf32, #tpu.memory_space<hbm>>
      %dma_wait3A_22 = arith.constant 0 : i32
      %dma_wait3A_23 = tpu.memref_slice %arg8[%mul3A_10, %dma_wait3A_22] : memref<10000x128xf32, #tpu.memory_space<vmem_shared>> -> memref<624x128xf32, #tpu.memory_space<vmem_shared>>
      tpu.wait_dma2 semaphore(%run_scoped3A : memref<!tpu.dma_semaphore, #tpu.memory_space<semaphore_mem>>) src(%dma_wait3A_23 : memref<624x128xf32, #tpu.memory_space<vmem_shared>>) dst(%dma_wait3A_21 : memref<624x128xf32, #tpu.memory_space<hbm>>)
      tpu.yield
    }) : () -> ()
    %eq3A_11 = arith.constant 15 : i32
    %eq3A_12 = arith.cmpi eq, %arg1, %eq3A_11 : i32
    %convert_element_type3A_13 = arith.extui %eq3A_12 : i1 to i32
    %cond3A_14 = arith.constant 0 : i32
    %cond3A_15 = arith.cmpi ne, %convert_element_type3A_13, %cond3A_14 : i32
    scf.if %cond3A_15 {
      "tpu.region"() ({
        %run_scoped3A = tpu.sem_alloc : memref<!tpu.dma_semaphore, #tpu.memory_space<semaphore_mem>>
        %dma_start3A = arith.constant 9984 : i32
        %dma_start3A_16 = arith.constant 0 : i32
        %dma_start3A_17 = tpu.memref_slice %arg7[%arg0, %dma_start3A, %dma_start3A_16] : memref<2x10000x128xf32, #tpu.memory_space<hbm>> -> memref<1x16x128xf32, #tpu.memory_space<hbm>>
        %dma_start3A_18 = tpu.memref_squeeze %dma_start3A_17 : memref<1x16x128xf32, #tpu.memory_space<hbm>> -> memref<16x128xf32, #tpu.memory_space<hbm>>
        %dma_start3A_19 = arith.constant 9984 : i32
        %dma_start3A_20 = arith.constant 0 : i32
        %dma_start3A_21 = tpu.memref_slice %arg8[%dma_start3A_19, %dma_start3A_20] : memref<10000x128xf32, #tpu.memory_space<vmem_shared>> -> memref<16x128xf32, #tpu.memory_space<vmem_shared>>
        tpu.enqueue_dma source(%dma_start3A_21 : memref<16x128xf32, #tpu.memory_space<vmem_shared>>) target(%dma_start3A_18 : memref<16x128xf32, #tpu.memory_space<hbm>>) target_semaphore(%run_scoped3A : memref<!tpu.dma_semaphore, #tpu.memory_space<semaphore_mem>>)
        %dma_wait3A = arith.constant 9984 : i32
        %dma_wait3A_22 = arith.constant 0 : i32
        %dma_wait3A_23 = tpu.memref_slice %arg7[%arg0, %dma_wait3A, %dma_wait3A_22] : memref<2x10000x128xf32, #tpu.memory_space<hbm>> -> memref<1x16x128xf32, #tpu.memory_space<hbm>>
        %dma_wait3A_24 = tpu.memref_squeeze %dma_wait3A_23 : memref<1x16x128xf32, #tpu.memory_space<hbm>> -> memref<16x128xf32, #tpu.memory_space<hbm>>
        %dma_wait3A_25 = arith.constant 9984 : i32
        %dma_wait3A_26 = arith.constant 0 : i32
        %dma_wait3A_27 = tpu.memref_slice %arg8[%dma_wait3A_25, %dma_wait3A_26] : memref<10000x128xf32, #tpu.memory_space<vmem_shared>> -> memref<16x128xf32, #tpu.memory_space<vmem_shared>>
        tpu.wait_dma2 semaphore(%run_scoped3A : memref<!tpu.dma_semaphore, #tpu.memory_space<semaphore_mem>>) src(%dma_wait3A_27 : memref<16x128xf32, #tpu.memory_space<vmem_shared>>) dst(%dma_wait3A_24 : memref<16x128xf32, #tpu.memory_space<hbm>>)
        tpu.yield
      }) : () -> ()
    } else {
    }
    return
  }
}

module attributes {stable_mosaic.version = 14 : i64} {
  func.func @_tc_support_body(%arg0: i32, %arg1: memref<1000x128xf32, #tpu.memory_space<vmem>>, %arg2: memref<128x128xf32, #tpu.memory_space<vmem>>, %arg3: memref<1000x1xf32, #tpu.memory_space<vmem>>, %arg4: memref<1000x128xf32, #tpu.memory_space<vmem>>) attributes {dimension_semantics = [#tpu.dimension_semantics<arbitrary>], iteration_bounds = array<i64: 10>, scalar_prefetch = 0 : i64, scratch_operands = 0 : i64, tpu.core_type = #tpu.core_type<tc>, window_params = [{transform_indices = @transform_0, window_bounds = array<i64: 1000, 128>}, {pipeline_mode = #tpu.pipeline_mode<synchronous>, transform_indices = @transform_1, window_bounds = array<i64: 128, 128>}, {transform_indices = @transform_2, window_bounds = array<i64: 1000, 1>}, {transform_indices = @transform_3, window_bounds = array<i64: 1000, 128>}]} {
    %get3A = arith.constant 0 : index
    %get3A_0 = arith.constant 0 : index
    %get3A_1 = vector.load %arg1[%get3A, %get3A_0] : memref<1000x128xf32, #tpu.memory_space<vmem>>, vector<1000x128xf32>
    %get3A_2 = arith.constant 0 : index
    %get3A_3 = arith.constant 0 : index
    %get3A_4 = vector.load %arg2[%get3A_2, %get3A_3] : memref<128x128xf32, #tpu.memory_space<vmem>>, vector<128x128xf32>
    %dot_general3A = arith.constant dense<0.000000e+00> : vector<1000x128xf32>
    %dot_general3A_5 = tpu.matmul %get3A_1, %get3A_4, %dot_general3A {dimension_numbers = #tpu.dot_dimension_numbers<[1], [0], [0], [1], [0, 0, 1, 1], [], []>, transpose_lhs_hint = false} : vector<1000x128xf32>, vector<128x128xf32>, vector<1000x128xf32> -> vector<1000x128xf32>
    %get3A_6 = arith.constant 0 : index
    %get3A_7 = arith.constant 0 : index
    %get3A_8 = vector.load %arg3[%get3A_6, %get3A_7] : memref<1000x1xf32, #tpu.memory_space<vmem>>, vector<1000x1xf32>
    %mul3A = vector.broadcast %get3A_8 : vector<1000x1xf32> to vector<1000x128xf32>
    %mul3A_9 = arith.mulf %dot_general3A_5, %mul3A : vector<1000x128xf32>
    %swap3A = arith.constant 0 : index
    %swap3A_10 = arith.constant 0 : index
    %swap3A_11 = vector.load %arg4[%swap3A, %swap3A_10] : memref<1000x128xf32, #tpu.memory_space<vmem>>, vector<1000x128xf32>
    tpu.vector_store %arg4[%swap3A, %swap3A_10], %mul3A_9 {strides = array<i32>} : memref<1000x128xf32, #tpu.memory_space<vmem>>, vector<1000x128xf32>,
    return
  }
  func.func @transform_0(%arg0: i32) -> (i32, i32) {
    %c0_i32 = arith.constant 0 : i32
    %c0_i32_0 = arith.constant 0 : i32
    return %arg0, %c0_i32 : i32, i32
  }
  func.func @transform_1(%arg0: i32) -> (i32, i32) {
    %c0_i32 = arith.constant 0 : i32
    %c0_i32_0 = arith.constant 0 : i32
    %c0_i32_1 = arith.constant 0 : i32
    return %c0_i32, %c0_i32_0 : i32, i32
  }
  func.func @transform_2(%arg0: i32) -> (i32, i32) {
    %c0_i32 = arith.constant 0 : i32
    %c0_i32_0 = arith.constant 0 : i32
    return %arg0, %c0_i32 : i32, i32
  }
  func.func @transform_3(%arg0: i32) -> (i32, i32) {
    %c0_i32 = arith.constant 0 : i32
    %c0_i32_0 = arith.constant 0 : i32
    return %arg0, %c0_i32 : i32, i32
  }
}

module attributes {stable_mosaic.version = 14 : i64} {
  func.func @_tc_combine_body(%arg0: i32, %arg1: memref<1x1000x128xf32, #tpu.memory_space<vmem>>, %arg2: memref<1x1000x128xf32, #tpu.memory_space<vmem>>, %arg3: memref<1000x128xf32, #tpu.memory_space<vmem>>) attributes {dimension_semantics = [#tpu.dimension_semantics<arbitrary>], iteration_bounds = array<i64: 10>, scalar_prefetch = 0 : i64, scratch_operands = 0 : i64, tpu.core_type = #tpu.core_type<tc>, window_params = [{transform_indices = @transform_0, window_bounds = array<i64: 1, 1000, 128>}, {transform_indices = @transform_1, window_bounds = array<i64: 1, 1000, 128>}, {transform_indices = @transform_2, window_bounds = array<i64: 1000, 128>}]} {
    %get3A = arith.constant 0 : index
    %get3A_0 = arith.constant 0 : index
    %get3A_1 = arith.constant 0 : index
    %get3A_2 = vector.load %arg1[%get3A, %get3A_0, %get3A_1] : memref<1x1000x128xf32, #tpu.memory_space<vmem>>, vector<1x1000x128xf32>
    %get3A_3 = vector.shape_cast %get3A_2 : vector<1x1000x128xf32> to vector<1000x128xf32>
    %get3A_4 = arith.constant 0 : index
    %get3A_5 = arith.constant 0 : index
    %get3A_6 = arith.constant 0 : index
    %get3A_7 = vector.load %arg2[%get3A_4, %get3A_5, %get3A_6] : memref<1x1000x128xf32, #tpu.memory_space<vmem>>, vector<1x1000x128xf32>
    %get3A_8 = vector.shape_cast %get3A_7 : vector<1x1000x128xf32> to vector<1000x128xf32>
    %add3A = arith.addf %get3A_3, %get3A_8 : vector<1000x128xf32>
    %swap3A = arith.constant 0 : index
    %swap3A_9 = arith.constant 0 : index
    %swap3A_10 = vector.load %arg3[%swap3A, %swap3A_9] : memref<1000x128xf32, #tpu.memory_space<vmem>>, vector<1000x128xf32>
    tpu.vector_store %arg3[%swap3A, %swap3A_9], %add3A {strides = array<i32>} : memref<1000x128xf32, #tpu.memory_space<vmem>>, vector<1000x128xf32>,
    return
  }
  func.func @transform_0(%arg0: i32) -> (i32, i32, i32) {
    %c0_i32 = arith.constant 0 : i32
    %c0_i32_0 = arith.constant 0 : i32
    %c0_i32_1 = arith.constant 0 : i32
    return %c0_i32, %arg0, %c0_i32_0 : i32, i32, i32
  }
  func.func @transform_1(%arg0: i32) -> (i32, i32, i32) {
    %c1_i32 = arith.constant 1 : i32
    %c0_i32 = arith.constant 0 : i32
    %c0_i32_0 = arith.constant 0 : i32
    return %c1_i32, %arg0, %c0_i32 : i32, i32, i32
  }
  func.func @transform_2(%arg0: i32) -> (i32, i32) {
    %c0_i32 = arith.constant 0 : i32
    %c0_i32_0 = arith.constant 0 : i32
    return %arg0, %c0_i32 : i32, i32
  }
}

</mosaic_0001>

<sc_bundles>
// kernel: kernel.5.cloned.1.call-start
scs
__scs_entry_jumppad:
0x0: {  	(pc) =	sbr.rel $0x88, $3  }
0x1: {  	(tag) =	ssettag $0x0;
	lr =	simm.s32 $0x1  }
0x2: {  	[smem:$0x3F9B] =	sst lr;
	_ =	strace $0xD0000000  }
0x3: {  	_ = 	snop  }
0x4: {  	_ = 	snop  }
0x5: {  	_ = 	snop  }
0x6: {  	_ = 	snop  }
0x7: {  	_ = 	snop  }
__scs_overlays_trampoline_lowered:
0x8: {  	[smem:$0x3FAA] =	sst s0  }
0x9: {  	[smem:$0x3FAB] =	sst s1  }
0xa: {  	[smem:$0x3FAC] =	sst s2  }
0xb: {  	[smem:$0x3FAD] =	sst s3  }
0xc: {  	[smem:$0x3FAE] =	sst s4  }
0xd: {  	[smem:$0x3FAF] =	sst s5  }
0xe: {  	[smem:$0x3FB0] =	sst s6  }
0xf: {  	[smem:$0x3FB1] =	sst s7  }
0x10: {  	[smem:$0x3FB2] =	sst s8  }
0x11: {  	[smem:$0x3FB3] =	sst s9;
	s0 =	simm.s32 @!p0 $0x0  }
0x12: {  	s1 =	sld [smem:$0x3F99];
	s0 =	simm.s32 @p0 $0x1  }
0x13: {  	[smem:$0x3FB4] =	sst s0;
	s0 =	simm.s32 @!p1 $0x0  }
0x14: {  	s2 =	sld [smem:$0x3F98];
	s0 =	simm.s32 @p1 $0x1  }
0x15: {  	[smem:$0x3FB5] =	sst s0;
	s0 =	simm.s32 @!p2 $0x0  }
0x16: {  	s3 =	sld [smem:$0x3FDB];
	s0 =	simm.s32 @p2 $0x1  }
0x17: {  	s4 =	simm.s32 $0x1BF5;
	[smem:$0x3FB7] =	sst s0  }
0x18: {  	s0 =	sld [smem:$0x3F9A];
	_ =	swait.ge [sflag:s4], $0x0  }
0x19: {  	s7 =	sld [smem:$0x3F9B]  }
0x1a: {  	s8 =	sadd.s32 $0xFFFFE003, lr  }
0x1b: {  	s9 =	sadd.s32 $0xFFFFFEF7, lr;
	s5 =	simm.s32 $0xFFFFFFFF;
	p2 =	slt.u32 s8, $0xFFFFF086  }
0x1c: {  	p1 =	slt.u32 s9, $0xF7A;
	s5 =	simm.s32 @!p2 $0x0  }
0x1d: {  	s5 =	simm.s32 @p1 $0x1;
	p0 =	seq.s32 s7, s2  }
0x1e: {  	s7 =	smul.u32 @!p0 $0xF7A, s2;
	p2 =	seq.s32 @!p0 s5, $0x0  }
0x1f: {  	s9 =	smul.u32 $0xF7A, s1;
	s8 =	simm.s32 @!p0 $0x1BF5;
	p2 =	por !p2, p0  }
0x20: {  	[sflag:s8] =	ssyncset.s32 @!p0 $0xFFFFF086;
	s6 =	sadd.s32 @!p0 s3, s7;
	s7 =	simm.s32 @!p0 $0x108  }
0x21: {  	s3 =	sadd.s32 s3, s9;
	s6 =	sadd.s32 @!p0 $0x88, s6;
	s7 =	simm.s32 @p2 $0x1082  }
0x22: {  	[simem:s7], [sflag:s8] =	dma.local @!p0 [hbm:s6], $0xF7A  }
0x23: {  	s9 =	sor.u32 $0xD0000000, s2;
	s6 =	simm.s32 $0x108;
	_ =	swait.ge @!p0 [sflag:s8], $0x0  }
0x24: {  	s3 =	sadd.s32 $0x88, s3;
	s6 =	simm.s32 @!p1 $0x1082;
	[sflag:s4] =	ssyncset.s32 $0xFFFFF086  }
0x25: {  	[simem:s6], [sflag:s4] =	dma.local [hbm:s3], $0xF7A  }
0x26: {  	[smem:$0x3F9B] =	sst s1;
	(tag) =	ssettag s2;
	_ =	strace s9  }
0x27: {  	s1 =	sld [smem:$0x3FAB]  }
0x28: {  	s2 =	sld [smem:$0x3FAC]  }
0x29: {  	s4 =	sld [smem:$0x3FAE]  }
0x2a: {  	p0 =	seq.s32 s5, $0x0;
	s5 =	sld [smem:$0x3FAF]  }
0x2b: {  	s6 =	sld [smem:$0x3FB0]  }
0x2c: {  	s7 =	sld [smem:$0x3FB1]  }
0x2d: {  	s3 =	simm.s32 $0x108;
	s8 =	sld [smem:$0x3FB2]  }
0x2e: {  	s3 =	simm.s32 @!p0 $0x1082;
	s9 =	sld [smem:$0x3FB3]  }
0x2f: {  	lr =	sadd.s32 s0, s3;
	s0 =	sld [smem:$0x3FAA]  }
0x30: {  	s3 =	sld [smem:$0x3FAD]  }
0x31: {  	[smem:$0x3FB6] =	sst s10  }
0x32: {  	s10 =	sld [smem:$0x3FB4];
	_ =	sdelay $0x3  }
0x33: {  	p0 =	seq.s32 s10, $0x1;
	s10 =	sld [smem:$0x3FB6];
	_ =	sdelay $0x3  }
0x34: {  	[smem:$0x3FB6] =	sst s10  }
0x35: {  	s10 =	sld [smem:$0x3FB5];
	_ =	sdelay $0x3  }
0x36: {  	p1 =	seq.s32 s10, $0x1;
	s10 =	sld [smem:$0x3FB6];
	_ =	sdelay $0x3  }
0x37: {  	[smem:$0x3FB6] =	sst s10  }
0x38: {  	s10 =	sld [smem:$0x3FB7]  }
0x39: {  	_ = 	snop;
	(pc) =	sbr.ind lr, $3  }
0x3a: {  	_ = 	snop  }
0x3b: {  	_ = 	snop  }
0x3c: {  	p2 =	seq.s32 s10, $0x1;
	s10 =	sld [smem:$0x3FB6]  }
0x3d: {  	_ =	shalt  }
0x3e: {  	_ =	shalt  }
0x3f: {  	_ =	shalt  }
0x40: {  	_ =	shalt  }
0x41: {  	_ =	shalt  }
0x42: {  	_ =	shalt  }
0x43: {  	_ =	shalt  }
0x44: {  	_ =	shalt  }
0x45: {  	_ =	shalt  }
0x46: {  	_ =	shalt  }
0x47: {  	_ =	shalt  }
0x48: {  	_ =	shalt  }
0x49: {  	_ =	shalt  }
0x4a: {  	_ =	shalt  }
0x4b: {  	_ =	shalt  }
0x4c: {  	_ =	shalt  }
0x4d: {  	_ =	shalt  }
0x4e: {  	_ =	shalt  }
0x4f: {  	_ =	shalt  }
0x50: {  	_ =	shalt  }
0x51: {  	_ =	shalt  }
0x52: {  	_ =	shalt  }
0x53: {  	_ =	shalt  }
0x54: {  	_ =	shalt  }
0x55: {  	_ =	shalt  }
0x56: {  	_ =	shalt  }
0x57: {  	_ =	shalt  }
0x58: {  	_ =	shalt  }
0x59: {  	_ =	shalt  }
0x5a: {  	_ =	shalt  }
0x5b: {  	_ =	shalt  }
0x5c: {  	_ =	shalt  }
0x5d: {  	_ =	shalt  }
0x5e: {  	_ =	shalt  }
0x5f: {  	_ =	shalt  }
0x60: {  	_ =	shalt  }
0x61: {  	_ =	shalt  }
0x62: {  	_ =	shalt  }
0x63: {  	_ =	shalt  }
0x64: {  	_ =	shalt  }
0x65: {  	_ =	shalt  }
0x66: {  	_ =	shalt  }
0x67: {  	_ =	shalt  }
0x68: {  	_ =	shalt  }
0x69: {  	_ =	shalt  }
0x6a: {  	_ =	shalt  }
0x6b: {  	_ =	shalt  }
0x6c: {  	_ =	shalt  }
0x6d: {  	_ =	shalt  }
0x6e: {  	_ =	shalt  }
0x6f: {  	_ =	shalt  }
0x70: {  	_ =	shalt  }
0x71: {  	_ =	shalt  }
0x72: {  	_ =	shalt  }
0x73: {  	_ =	shalt  }
0x74: {  	_ =	shalt  }
0x75: {  	_ =	shalt  }
0x76: {  	_ =	shalt  }
0x77: {  	_ =	shalt  }
0x78: {  	_ =	shalt  }
0x79: {  	_ =	shalt  }
0x7a: {  	_ =	shalt  }
0x7b: {  	_ =	shalt  }
0x7c: {  	_ =	shalt  }
0x7d: {  	_ =	shalt  }
0x7e: {  	_ =	shalt  }
0x7f: {  	_ =	shalt  }
0x80: {  	_ =	shalt  }
0x81: {  	_ =	shalt  }
0x82: {  	_ =	shalt  }
0x83: {  	_ =	shalt  }
0x84: {  	_ =	shalt  }
0x85: {  	_ =	shalt  }
0x86: {  	_ =	shalt  }
0x87: {  	_ =	shalt  }
.Lfunc_end0:
.L_simem_size_0:
called_computation_lowered:
.L_overlay_start_0:
0x88: {  	s2 =	sld [smem:$0x3FD9]  }
0x89: {  	s3 =	sld [smem:$0x3FFE];
	_ =	sdelay $0x1  }
0x8a: {  	s1 =	srdreg.scid  }
0x8b: {  	s0 =	sand.u32 $0x1, s1  }
0x8c: {  	s17 =	sshll.u32 s0, $0xA;
	s2 =	sadd.s32 s3, s2  }
0x8d: {  	s2 =	sadd.s32 s2, s17  }
0x8e: {  	[smem:$0x3FC2] =	sst s2  }
0x8f: {  	_ = 	snop  }
0x90: {  	s2 =	sld [smem:$0x3FD0];
	(tm) =	ssettm $0x1  }
0x91: {  	s18 =	sld [smem:$0x3FFB];
	_ =	sdelay $0x3  }
0x92: {  	_ =	strace s18  }
0x93: {  	s3 =	sld [smem:$0x3FFC];
	_ =	sdelay $0x3  }
0x94: {  	_ =	strace s3  }
0x95: {  	s3 =	sld [smem:$0x3FFD];
	_ =	sdelay $0x3  }
0x96: {  	_ =	strace s3  }
0x97: {  	_ =	strace $0x8FFFFFFF  }
0x98: {  	s19 =	sld [smem:$0x3FDB];
	_ =	sdelay $0x1  }
0x99: {  	s4 =	simm.s32 $_scs_section_size  }
0x9a: {  	s5 =	simm.s32 $_size__tile_overlayer_lowered;
	s6 =	simm.s32 $_tile_overlayer_lowered  }
0x9b: {  	s22 =	simm.s32 $0x1BFF;
	s21 =	sshll.u32 s6, $0x1;
	s3 =	sadd.s32 s4, s19  }
0x9c: {  	s7 =	simm.s32 $0x0;
	s20 =	sshll.u32 s5, $0x1;
	s5 =	sadd.s32 s21, s3  }
0x9d: {  	[timem:s7], [sflag:s22] =	dma.local [hbm:s5], s20  }
0x9e: {  	_ =	swait.ge [sflag:s22], s20  }
0x9f: {  	s4 =	ssub.s32 $0x0, s20;
	[sflag:s22] =	ssyncset.done $0x0  }
0xa0: {  	[sflag:s22] =	ssyncadd.s32 s4;
	_ =	sdelay $0x1  }
0xa1: {  	s23 =	simm.s32 $0x1B8B  }
0xa2: {  	_ =	swait.ge [sflag:s23], $0x1  }
0xa3: {  	[sflag:s23] =	ssyncset.done $0x0  }
0xa4: {  	s25 =	simm.s32 $0x1B8E;
	s24 =	sld [smem:$0x3FFE];
	[sflag:s23] =	ssyncadd.s32 $0xFFFFFFFF  }
0xa5: {  	s26 =	simm.s32 $execute0_lowered;
	[smem:$0x3FD2] =	sst s25  }
0xa6: {  	s5 =	sshll.u32 s26, $0x1;
	_ =	strace $0x80000046;
	[dreg:$0x1] =	wrdreg $0xFFFFFFFF  }
0xa7: {  	s28 =	simm.s32 $_size_execute0_lowered;
	s3 =	sadd.s32 s3, s5;
	[dreg:$0x0] =	wrdreg $0x0  }
0xa8: {  	s5 =	sshll.u32 s28, $0x1;
	[dreg:$0x2] =	wrdreg s3  }
0xa9: {  	[dreg:$0x3] =	wrdreg s5  }
0xaa: {  	[dreg:$0x4] =	wrdreg $0xC0  }
0xab: {  	_ =	task [dreg:s7], $0x5FFFF  }
0xac: {  	[dreg:$0x1] =	wrdreg $0xFFFFFFFF  }
0xad: {  	[dreg:$0x0] =	wrdreg $0x60  }
0xae: {  	[dreg:$0x2] =	wrdreg s2  }
0xaf: {  	[dreg:$0x3] =	wrdreg s24  }
0xb0: {  	[dreg:$0x4] =	wrdreg $0x0  }
0xb1: {  	[dreg:$0x5] =	wrdreg $0x9  }
0xb2: {  	_ =	task.clear_ibuf [dreg:s7], $0x6FFFF;
	_ =	strace $0x90000046  }
0xb3: {  	s29 =	simm.s32 $0x9;
	_ =	strace $0x80000048  }
0xb4: {  	_ =	swait.ge [sflag:s29], $0x1  }
0xb5: {  	[sflag:s29] =	ssyncadd.s32 $0xFFFFFFFF  }
0xb6: {  	_ =	strace $0x90000048  }
0xb7: {  	_ =	sfence  }
0xb8: {  	s30 =	sld [smem:$0x0];
	_ =	sdelay $0x2  }
0xb9: {  	s31 =	sshll.u32 s1, $0xD;
	s1 =	sshrl.u32 s1, $0x2  }
0xba: {  	s3 =	sand.u32 $0x4000, s31;
	s1 =	sadd.s32 s1, s30  }
0xbb: {  	s0 =	sor.u32 s3, s0;
	s1 =	sshll.u32 s1, $0x11  }
0xbc: {  	s0 =	sor.u32 s1, s0  }
0xbd: {  	s0 =	sadd.s32 $0x8F2B, s0  }
0xbe: {  	[sflag:s0] =	ssyncadd.remote.s32 $0x1  }
0xbf: {  	_ =	sfence.sel $0xFFFF  }
0xc0: {  	[dreg:$0x0] =	wrdreg $0xFFFFFFFF;
	(pc) =	sbr.abs _section_cstart, $3  }
0xc1: {  	[dreg:$0x1] =	wrdreg $0xFFFFFFFF  }
0xc2: {  	_ =	task.clear_ibuf [dreg:s7], $0x2FFFF;
	_ =	strace $0x9FFFFFFF  }
0xc3: {  	(tm) =	ssettm $0x7FFFFFFF  }
tec
execute0_lowered:
.L_overlay_start_1:
0x0: {  	(tag) =	ssettag $0x1  }
0x1: {  	s1 =	rddreg [dreg:$0x0]  }
0x2: {  	s5 =	rddreg [dreg:$0x1]  }
0x3: {  	s3 =	rddreg [dreg:$0x2]  }
0x4: {  	s0 =	srdreg.scid;
	s2 =	rddreg [dreg:$0x3];
	s4 =	simm.s32 $0x0  }
0x5: {  	s17 =	simm.s32 $0x16080;
	s18 =	simm.s32 $0x18880;
	s6 =	sand.u32 $0x1, s0  }
0x6: {  	s19 =	simm.s32 $0x80;
	s0 =	stileid.u32;
	s7 =	smul.u32 $0x28000, s6  }
0x7: {  	s20 =	simm.s32 $0x1B080;
	s21 =	simm.s32 $0x1;
	s8 =	smul.u32 $0x2800, s0  }
0x8: {  	s22 =	simm.s32 $0x0;
	[smem:$0x7FF] =	sst s4;
	s25 =	smul.u32 $0x2700, s6  }
0x9: {  	s11 =	sadd.s32 $0x23E00, s5;
	s15 =	sadd.s32 $0x138000, s3;
	s10 =	smul.u32 $0x4E000, s0  }
0xa: {  	_ =	strace $0x80000047;
	s26 =	ssub.s32 $0x2, s6;
	s30 =	smul.u32 $0x138800, s6  }
0xb: {  	s31 =	sshll.u32 s0, $0x6;
	s14 =	smul.u32 $0x13800, s0;
	p0 =	sne.s32 s0, $0xF  }
0xc: {  	s28 =	sshrl.u32 s26, $0x1;
	s6 =	sor.u32 $0x1C02, s31;
	s15 =	sshrl.u32 @!p0 s15, $0x3  }
0xd: {  	s7 =	sadd.s32 s8, s7;
	s8 =	sadd.s32 s25, s5;
	s12 =	ssub.s32 s26, s28  }
0xe: {  	v0 =	vimm.s32 $0x0;
	s29 =	sshrl.u32 s10, $0x2;
	s14 =	sadd.s32 s14, s30;
	s10 =	sshrl.u32 s30, $0x3  }
0xf: {  	v1 =	vimm.s32 $0x1;
	v2 =	vimm.s32 $0x2;
	v3 =	vimm.s32 $0x3;
	s7 =	sshrl.u32 s7, $0x3;
	s13 =	sadd.s32 s29, s3;
	s14 =	sshrl.u32 s14, $0x3  }
0x10: {  	v4 =	vimm.s32 $0x4;
	v5 =	vimm.s32 $0x5;
	v6 =	vimm.s32 $0x6;
	s16 =	sadd.s32 s11, s10;
	s12 =	smax.u32 s12, $0x1;
	s9 =	sadd.s32 s7, s5  }
0x11: {  	v7 =	vimm.s32 $0x7;
	v8 =	vimm.s32 $0x8;
	v9 =	vimm.s32 $0x9;
	s5 =	sadd.s32 $0x1000, s8;
	s10 =	sadd.s32 s11, s14;
	s11 =	sadd.s32 $0x27000, s16  }
0x12: {  	v10 =	vimm.s32 $0xA;
	v11 =	vimm.s32 $0xB;
	v12 =	vimm.s32 $0xC;
	s13 =	sshrl.u32 s13, $0x3;
	s14 =	simm.s32 $0x2;
	s16 =	simm.s32 $0x13880  }
0x13: {  	v13 =	vimm.s32 $0xD;
	v14 =	vimm.s32 $0xE;
	v15 =	vimm.s32 $0xF;
	s7 =	sadd.s32 $0x19E00, s9;
	s8 =	sadd.s32 $0xFE00, s9;
	s9 =	sadd.s32 $0x5E00, s9  }
.LBB2_1:
0x14: {  	[spmem:s13], [sflag:s6] =	dma.local [hbm:s5], $0x2700  }
0x15: {  	_ =	swait.ge [sflag:s14], $0x2700  }
0x16: {  	[sflag:s14] =	ssyncset.done $0x0  }
0x17: {  	s23 =	simm.s32 @!p0 $0x2;
	[sflag:s14] =	ssyncadd.s32 $0xFFFFD900  }
0x18: {  	[spmem:s15], [sflag:s6] =	dma.local @!p0 [hbm:s5], $0x100  }
0x19: {  	_ =	swait.ge @!p0 [sflag:s23], $0x100  }
0x1a: {  	[sflag:s23] =	ssyncset.done @!p0 $0x0  }
0x1b: {  	[sflag:s23] =	ssyncadd.s32 @!p0 $0xFFFFFF00  }
0x1c: {  	[bflag:$0x0] =	sbarrier.arrive $0xFFFF  }
0x1d: {  	[tilespmem:s16], [sflag:$0x2] =	stream.linear.gather [hbm4b:s7+s4], $0x2780, $0x38;
	[tilespmem:$0x1F080] =	vst v63  }
0x1e: {  	_ =	swait.ge [sflag:s14], $0x2780  }
0x1f: {  	[sflag:s14] =	ssyncset.done $0x0  }
0x20: {  	[sflag:s14] =	ssyncadd.s32 $0xFFFFD880  }
0x21: {  	[tilespmem:s17], [sflag:$0x2] =	stream.linear.gather [hbm4b:s8+s4], $0x2780, $0x38;
	[tilespmem:$0x1F080] =	vst v63  }
0x22: {  	_ =	swait.ge [sflag:s14], $0x2780  }
0x23: {  	[sflag:s14] =	ssyncset.done $0x0  }
0x24: {  	[sflag:s14] =	ssyncadd.s32 $0xFFFFD880  }
0x25: {  	[tilespmem:s18], [sflag:$0x2] =	stream.linear.gather [hbm4b:s9+s4], $0x2780, $0x38;
	[tilespmem:$0x1F080] =	vst v63  }
0x26: {  	_ =	swait.ge [sflag:s14], $0x2780  }
0x27: {  	[sflag:s14] =	ssyncset.done $0x0  }
0x28: {  	s23 =	simm.s32 $0x0;
	[sflag:s14] =	ssyncadd.s32 $0xFFFFD880  }
.LBB2_2:
0x29: {  	s24 =	sshll.u32 s23, $0x7  }
0x2a: {  	s25 =	sadd.s32 $0x13880, s24;
	s26 =	sadd.s32 $0x18880, s24  }
0x2b: {  	[tilespmem:s20], [sflag:$0x1] =	stream.indirect.gather [hbm4b:s1+s19], $0x80, s25, s19, $0xb8;
	[tilespmem:$0x1F080] =	vst v63  }
0x2c: {  	v16 =	vmov s26;
	_ =	swait.ge [sflag:s21], $0x4000  }
0x2d: {  	[sflag:s21] =	ssyncset.done $0x0  }
0x2e: {  	s25 =	simm.s32 $0x0;
	[sflag:s21] =	ssyncadd.s32 $0xFFFFC000  }
.LBB2_3:
0x2f: {  	s26 =	sshll.u32 s25, $0x4  }
0x30: {  	s26 =	sand.u32 $0x3FFFFFF0, s26  }
0x31: {  	s31 =	sshll.u32 s25, $0xB;
	v17 =	vld.idx.msk [tilespmem:v16+s26+$0x0 ss:$0x1], $0xffff  }
0x32: {  	s26 =	sand.u32 $0x3FFFF800, s31  }
0x33: {  	v18 =	vld [tilespmem:s26+$0x1B080]  }
0x34: {  	v19 =	vld [tilespmem:s26+$0x1B090]  }
0x35: {  	v20 =	vld [tilespmem:s26+$0x1B0A0]  }
0x36: {  	v22 =	vld [tilespmem:s26+$0x1B0B0];
	v21 =	vperm.xlane v17, v0  }
0x37: {  	v23 =	vld [tilespmem:s26+$0x1B0C0]  }
0x38: {  	v24 =	vld [tilespmem:s26+$0x1B0D0];
	v18 =	vmul.f32 v18, v21  }
0x39: {  	v25 =	vld [tilespmem:s26+$0x1B0E0];
	v19 =	vmul.f32 v19, v21  }
0x3a: {  	v38 =	vld [tilespmem:s26+$0x1B0F0];
	[tilespmem:s26+$0x1B080] =	vst v18;
	v18 =	vmul.f32 v20, v21  }
0x3b: {  	v39 =	vld [tilespmem:s26+$0x1B100];
	[tilespmem:s26+$0x1B090] =	vst v19;
	v19 =	vmul.f32 v22, v21  }
0x3c: {  	v40 =	vld [tilespmem:s26+$0x1B110];
	[tilespmem:s26+$0x1B0A0] =	vst v18;
	v18 =	vmul.f32 v23, v21  }
0x3d: {  	v41 =	vld [tilespmem:s26+$0x1B120];
	[tilespmem:s26+$0x1B0B0] =	vst v19;
	v19 =	vmul.f32 v24, v21  }
0x3e: {  	v26 =	vld [tilespmem:s26+$0x1B130];
	v42 =	vperm.xlane v17, v1;
	[tilespmem:s26+$0x1B0C0] =	vst v18;
	v18 =	vmul.f32 v25, v21  }
0x3f: {  	v43 =	vld [tilespmem:s26+$0x1B140];
	[tilespmem:s26+$0x1B0D0] =	vst v19;
	v19 =	vmul.f32 v38, v21  }
0x40: {  	v44 =	vld [tilespmem:s26+$0x1B150];
	[tilespmem:s26+$0x1B0E0] =	vst v18;
	v18 =	vmul.f32 v39, v42  }
0x41: {  	v45 =	vld [tilespmem:s26+$0x1B160];
	[tilespmem:s26+$0x1B0F0] =	vst v19;
	v19 =	vmul.f32 v40, v42  }
0x42: {  	v46 =	vld [tilespmem:s26+$0x1B170];
	[tilespmem:s26+$0x1B100] =	vst v18;
	v18 =	vmul.f32 v41, v42  }
0x43: {  	v47 =	vld [tilespmem:s26+$0x1B180];
	[tilespmem:s26+$0x1B110] =	vst v19;
	v19 =	vmul.f32 v26, v42  }
0x44: {  	v48 =	vld [tilespmem:s26+$0x1B190];
	[tilespmem:s26+$0x1B120] =	vst v18;
	v18 =	vmul.f32 v43, v42  }
0x45: {  	v49 =	vld [tilespmem:s26+$0x1B1A0];
	[tilespmem:s26+$0x1B130] =	vst v19;
	v19 =	vmul.f32 v44, v42  }
0x46: {  	v51 =	vld [tilespmem:s26+$0x1B1B0];
	v50 =	vperm.xlane v17, v2;
	[tilespmem:s26+$0x1B140] =	vst v18;
	v18 =	vmul.f32 v45, v42  }
0x47: {  	v52 =	vld [tilespmem:s26+$0x1B1C0];
	[tilespmem:s26+$0x1B150] =	vst v19;
	v19 =	vmul.f32 v46, v42  }
0x48: {  	v53 =	vld [tilespmem:s26+$0x1B1D0];
	[tilespmem:s26+$0x1B160] =	vst v18;
	v18 =	vmul.f32 v47, v50  }
0x49: {  	v54 =	vld [tilespmem:s26+$0x1B1E0];
	[tilespmem:s26+$0x1B170] =	vst v19;
	v19 =	vmul.f32 v48, v50  }
0x4a: {  	v55 =	vld [tilespmem:s26+$0x1B1F0];
	[tilespmem:s26+$0x1B180] =	vst v18;
	v18 =	vmul.f32 v49, v50  }
0x4b: {  	v56 =	vld [tilespmem:s26+$0x1B200];
	[tilespmem:s26+$0x1B190] =	vst v19;
	v19 =	vmul.f32 v51, v50  }
0x4c: {  	v57 =	vld [tilespmem:s26+$0x1B210];
	[tilespmem:s26+$0x1B1A0] =	vst v18;
	v18 =	vmul.f32 v52, v50  }
0x4d: {  	v58 =	vld [tilespmem:s26+$0x1B220];
	[tilespmem:s26+$0x1B1B0] =	vst v19;
	v19 =	vmul.f32 v53, v50  }
0x4e: {  	v60 =	vld [tilespmem:s26+$0x1B230];
	v59 =	vperm.xlane v17, v3;
	[tilespmem:s26+$0x1B1C0] =	vst v18;
	v18 =	vmul.f32 v54, v50  }
0x4f: {  	v61 =	vld [tilespmem:s26+$0x1B240];
	[tilespmem:s26+$0x1B1D0] =	vst v19;
	v19 =	vmul.f32 v55, v50  }
0x50: {  	v62 =	vld [tilespmem:s26+$0x1B250];
	[tilespmem:s26+$0x1B1E0] =	vst v18;
	v18 =	vmul.f32 v56, v59  }
0x51: {  	v63 =	vld [tilespmem:s26+$0x1B260];
	[tilespmem:s26+$0x1B1F0] =	vst v19;
	v19 =	vmul.f32 v57, v59  }
0x52: {  	v28 =	vld [tilespmem:s26+$0x1B270];
	[tilespmem:s26+$0x1B200] =	vst v18;
	v18 =	vmul.f32 v58, v59  }
0x53: {  	v29 =	vld [tilespmem:s26+$0x1B280];
	[tilespmem:s26+$0x1B210] =	vst v19;
	v19 =	vmul.f32 v60, v59  }
0x54: {  	v30 =	vld [tilespmem:s26+$0x1B290];
	[tilespmem:s26+$0x1B220] =	vst v18;
	v18 =	vmul.f32 v61, v59  }
0x55: {  	v31 =	vld [tilespmem:s26+$0x1B2A0];
	[tilespmem:s26+$0x1B230] =	vst v19;
	v19 =	vmul.f32 v62, v59  }
0x56: {  	v33 =	vld [tilespmem:s26+$0x1B2B0];
	v32 =	vperm.xlane v17, v4;
	[tilespmem:s26+$0x1B240] =	vst v18;
	v18 =	vmul.f32 v63, v59  }
0x57: {  	v34 =	vld [tilespmem:s26+$0x1B2C0];
	[tilespmem:s26+$0x1B250] =	vst v19;
	v19 =	vmul.f32 v28, v59  }
0x58: {  	v35 =	vld [tilespmem:s26+$0x1B2D0];
	[tilespmem:s26+$0x1B260] =	vst v18;
	v18 =	vmul.f32 v29, v32  }
0x59: {  	v36 =	vld [tilespmem:s26+$0x1B2E0];
	[tilespmem:s26+$0x1B270] =	vst v19;
	v19 =	vmul.f32 v30, v32  }
0x5a: {  	v37 =	vld [tilespmem:s26+$0x1B2F0];
	[tilespmem:s26+$0x1B280] =	vst v18;
	v18 =	vmul.f32 v31, v32  }
0x5b: {  	v38 =	vld [tilespmem:s26+$0x1B300];
	[tilespmem:s26+$0x1B290] =	vst v19;
	v19 =	vmul.f32 v33, v32  }
0x5c: {  	v39 =	vld [tilespmem:s26+$0x1B310];
	[tilespmem:s26+$0x1B2A0] =	vst v18;
	v18 =	vmul.f32 v34, v32  }
0x5d: {  	v40 =	vld [tilespmem:s26+$0x1B320];
	[tilespmem:s26+$0x1B2B0] =	vst v19;
	v19 =	vmul.f32 v35, v32  }
0x5e: {  	v41 =	vperm.xlane v17, v5;
	v42 =	vld [tilespmem:s26+$0x1B330];
	[tilespmem:s26+$0x1B2C0] =	vst v18;
	v18 =	vmul.f32 v36, v32  }
0x5f: {  	v43 =	vld [tilespmem:s26+$0x1B340];
	[tilespmem:s26+$0x1B2D0] =	vst v19;
	v19 =	vmul.f32 v37, v32  }
0x60: {  	v44 =	vld [tilespmem:s26+$0x1B350];
	[tilespmem:s26+$0x1B2E0] =	vst v18;
	v18 =	vmul.f32 v38, v41  }
0x61: {  	v45 =	vld [tilespmem:s26+$0x1B360];
	[tilespmem:s26+$0x1B2F0] =	vst v19;
	v19 =	vmul.f32 v39, v41  }
0x62: {  	v46 =	vld [tilespmem:s26+$0x1B370];
	[tilespmem:s26+$0x1B300] =	vst v18;
	v18 =	vmul.f32 v40, v41  }
0x63: {  	v47 =	vld [tilespmem:s26+$0x1B380];
	[tilespmem:s26+$0x1B310] =	vst v19;
	v19 =	vmul.f32 v42, v41  }
0x64: {  	v48 =	vld [tilespmem:s26+$0x1B390];
	[tilespmem:s26+$0x1B320] =	vst v18;
	v18 =	vmul.f32 v43, v41  }
0x65: {  	v49 =	vld [tilespmem:s26+$0x1B3A0];
	[tilespmem:s26+$0x1B330] =	vst v19;
	v19 =	vmul.f32 v44, v41  }
0x66: {  	v51 =	vld [tilespmem:s26+$0x1B3B0];
	v50 =	vperm.xlane v17, v6;
	[tilespmem:s26+$0x1B340] =	vst v18;
	v18 =	vmul.f32 v45, v41  }
0x67: {  	v52 =	vld [tilespmem:s26+$0x1B3C0];
	[tilespmem:s26+$0x1B350] =	vst v19;
	v19 =	vmul.f32 v46, v41  }
0x68: {  	v53 =	vld [tilespmem:s26+$0x1B3D0];
	[tilespmem:s26+$0x1B360] =	vst v18;
	v18 =	vmul.f32 v47, v50  }
0x69: {  	v54 =	vld [tilespmem:s26+$0x1B3E0];
	[tilespmem:s26+$0x1B370] =	vst v19;
	v19 =	vmul.f32 v48, v50  }
0x6a: {  	v55 =	vld [tilespmem:s26+$0x1B3F0];
	[tilespmem:s26+$0x1B380] =	vst v18;
	v18 =	vmul.f32 v49, v50  }
0x6b: {  	v56 =	vld [tilespmem:s26+$0x1B400];
	[tilespmem:s26+$0x1B390] =	vst v19;
	v19 =	vmul.f32 v51, v50  }
0x6c: {  	v57 =	vld [tilespmem:s26+$0x1B410];
	[tilespmem:s26+$0x1B3A0] =	vst v18;
	v18 =	vmul.f32 v52, v50  }
0x6d: {  	v58 =	vld [tilespmem:s26+$0x1B420];
	[tilespmem:s26+$0x1B3B0] =	vst v19;
	v19 =	vmul.f32 v53, v50  }
0x6e: {  	v60 =	vld [tilespmem:s26+$0x1B430];
	v59 =	vperm.xlane v17, v7;
	[tilespmem:s26+$0x1B3C0] =	vst v18;
	v18 =	vmul.f32 v54, v50  }
0x6f: {  	v61 =	vld [tilespmem:s26+$0x1B440];
	[tilespmem:s26+$0x1B3D0] =	vst v19;
	v19 =	vmul.f32 v55, v50  }
0x70: {  	v62 =	vld [tilespmem:s26+$0x1B450];
	[tilespmem:s26+$0x1B3E0] =	vst v18;
	v18 =	vmul.f32 v56, v59  }
0x71: {  	v63 =	vld [tilespmem:s26+$0x1B460];
	[tilespmem:s26+$0x1B3F0] =	vst v19;
	v19 =	vmul.f32 v57, v59  }
0x72: {  	v28 =	vld [tilespmem:s26+$0x1B470];
	[tilespmem:s26+$0x1B400] =	vst v18;
	v18 =	vmul.f32 v58, v59  }
0x73: {  	v29 =	vld [tilespmem:s26+$0x1B480];
	[tilespmem:s26+$0x1B410] =	vst v19;
	v19 =	vmul.f32 v60, v59  }
0x74: {  	v30 =	vld [tilespmem:s26+$0x1B490];
	[tilespmem:s26+$0x1B420] =	vst v18;
	v18 =	vmul.f32 v61, v59  }
0x75: {  	v31 =	vld [tilespmem:s26+$0x1B4A0];
	[tilespmem:s26+$0x1B430] =	vst v19;
	v19 =	vmul.f32 v62, v59  }
0x76: {  	v33 =	vld [tilespmem:s26+$0x1B4B0];
	v32 =	vperm.xlane v17, v8;
	[tilespmem:s26+$0x1B440] =	vst v18;
	v18 =	vmul.f32 v63, v59  }
0x77: {  	v34 =	vld [tilespmem:s26+$0x1B4C0];
	[tilespmem:s26+$0x1B450] =	vst v19;
	v19 =	vmul.f32 v28, v59  }
0x78: {  	v35 =	vld [tilespmem:s26+$0x1B4D0];
	[tilespmem:s26+$0x1B460] =	vst v18;
	v18 =	vmul.f32 v29, v32  }
0x79: {  	v36 =	vld [tilespmem:s26+$0x1B4E0];
	[tilespmem:s26+$0x1B470] =	vst v19;
	v19 =	vmul.f32 v30, v32  }
0x7a: {  	v37 =	vld [tilespmem:s26+$0x1B4F0];
	[tilespmem:s26+$0x1B480] =	vst v18;
	v18 =	vmul.f32 v31, v32  }
0x7b: {  	v38 =	vld [tilespmem:s26+$0x1B500];
	[tilespmem:s26+$0x1B490] =	vst v19;
	v19 =	vmul.f32 v33, v32  }
0x7c: {  	v39 =	vld [tilespmem:s26+$0x1B510];
	[tilespmem:s26+$0x1B4A0] =	vst v18;
	v18 =	vmul.f32 v34, v32  }
0x7d: {  	v40 =	vld [tilespmem:s26+$0x1B520];
	[tilespmem:s26+$0x1B4B0] =	vst v19;
	v19 =	vmul.f32 v35, v32  }
0x7e: {  	v42 =	vld [tilespmem:s26+$0x1B530];
	v41 =	vperm.xlane v17, v9;
	[tilespmem:s26+$0x1B4C0] =	vst v18;
	v18 =	vmul.f32 v36, v32  }
0x7f: {  	v43 =	vld [tilespmem:s26+$0x1B540];
	[tilespmem:s26+$0x1B4D0] =	vst v19;
	v19 =	vmul.f32 v37, v32  }
0x80: {  	v44 =	vld [tilespmem:s26+$0x1B550];
	[tilespmem:s26+$0x1B4E0] =	vst v18;
	v18 =	vmul.f32 v38, v41  }
0x81: {  	v45 =	vld [tilespmem:s26+$0x1B560];
	[tilespmem:s26+$0x1B4F0] =	vst v19;
	v19 =	vmul.f32 v39, v41  }
0x82: {  	v46 =	vld [tilespmem:s26+$0x1B570];
	[tilespmem:s26+$0x1B500] =	vst v18;
	v18 =	vmul.f32 v40, v41  }
0x83: {  	v47 =	vld [tilespmem:s26+$0x1B580];
	[tilespmem:s26+$0x1B510] =	vst v19;
	v19 =	vmul.f32 v42, v41  }
0x84: {  	v48 =	vld [tilespmem:s26+$0x1B590];
	[tilespmem:s26+$0x1B520] =	vst v18;
	v18 =	vmul.f32 v43, v41  }
0x85: {  	v49 =	vld [tilespmem:s26+$0x1B5A0];
	[tilespmem:s26+$0x1B530] =	vst v19;
	v19 =	vmul.f32 v44, v41  }
0x86: {  	v51 =	vld [tilespmem:s26+$0x1B5B0];
	v50 =	vperm.xlane v17, v10;
	[tilespmem:s26+$0x1B540] =	vst v18;
	v18 =	vmul.f32 v45, v41  }
0x87: {  	v52 =	vld [tilespmem:s26+$0x1B5C0];
	[tilespmem:s26+$0x1B550] =	vst v19;
	v19 =	vmul.f32 v46, v41  }
0x88: {  	v53 =	vld [tilespmem:s26+$0x1B5D0];
	[tilespmem:s26+$0x1B560] =	vst v18;
	v18 =	vmul.f32 v47, v50  }
0x89: {  	v54 =	vld [tilespmem:s26+$0x1B5E0];
	[tilespmem:s26+$0x1B570] =	vst v19;
	v19 =	vmul.f32 v48, v50  }
0x8a: {  	v55 =	vld [tilespmem:s26+$0x1B5F0];
	[tilespmem:s26+$0x1B580] =	vst v18;
	v18 =	vmul.f32 v49, v50  }
0x8b: {  	v56 =	vld [tilespmem:s26+$0x1B600];
	[tilespmem:s26+$0x1B590] =	vst v19;
	v19 =	vmul.f32 v51, v50  }
0x8c: {  	v57 =	vld [tilespmem:s26+$0x1B610];
	[tilespmem:s26+$0x1B5A0] =	vst v18;
	v18 =	vmul.f32 v52, v50  }
0x8d: {  	v58 =	vld [tilespmem:s26+$0x1B620];
	[tilespmem:s26+$0x1B5B0] =	vst v19;
	v19 =	vmul.f32 v53, v50  }
0x8e: {  	v60 =	vld [tilespmem:s26+$0x1B630];
	v59 =	vperm.xlane v17, v11;
	[tilespmem:s26+$0x1B5C0] =	vst v18;
	v18 =	vmul.f32 v54, v50  }
0x8f: {  	v61 =	vld [tilespmem:s26+$0x1B640];
	[tilespmem:s26+$0x1B5D0] =	vst v19;
	v19 =	vmul.f32 v55, v50  }
0x90: {  	v62 =	vld [tilespmem:s26+$0x1B650];
	[tilespmem:s26+$0x1B5E0] =	vst v18;
	v18 =	vmul.f32 v56, v59  }
0x91: {  	v63 =	vld [tilespmem:s26+$0x1B660];
	[tilespmem:s26+$0x1B5F0] =	vst v19;
	v19 =	vmul.f32 v57, v59  }
0x92: {  	v28 =	vld [tilespmem:s26+$0x1B670];
	[tilespmem:s26+$0x1B600] =	vst v18;
	v18 =	vmul.f32 v58, v59  }
0x93: {  	v29 =	vld [tilespmem:s26+$0x1B680];
	[tilespmem:s26+$0x1B610] =	vst v19;
	v19 =	vmul.f32 v60, v59  }
0x94: {  	v30 =	vld [tilespmem:s26+$0x1B690];
	[tilespmem:s26+$0x1B620] =	vst v18;
	v18 =	vmul.f32 v61, v59  }
0x95: {  	v31 =	vld [tilespmem:s26+$0x1B6A0];
	[tilespmem:s26+$0x1B630] =	vst v19;
	v19 =	vmul.f32 v62, v59  }
0x96: {  	v33 =	vld [tilespmem:s26+$0x1B6B0];
	v32 =	vperm.xlane v17, v12;
	[tilespmem:s26+$0x1B640] =	vst v18;
	v18 =	vmul.f32 v63, v59  }
0x97: {  	v34 =	vld [tilespmem:s26+$0x1B6C0];
	[tilespmem:s26+$0x1B650] =	vst v19;
	v19 =	vmul.f32 v28, v59  }
0x98: {  	v35 =	vld [tilespmem:s26+$0x1B6D0];
	[tilespmem:s26+$0x1B660] =	vst v18;
	v18 =	vmul.f32 v29, v32  }
0x99: {  	v36 =	vld [tilespmem:s26+$0x1B6E0];
	[tilespmem:s26+$0x1B670] =	vst v19;
	v19 =	vmul.f32 v30, v32  }
0x9a: {  	v37 =	vld [tilespmem:s26+$0x1B6F0];
	[tilespmem:s26+$0x1B680] =	vst v18;
	v18 =	vmul.f32 v31, v32  }
0x9b: {  	v38 =	vld [tilespmem:s26+$0x1B700];
	[tilespmem:s26+$0x1B690] =	vst v19;
	v19 =	vmul.f32 v33, v32  }
0x9c: {  	v39 =	vld [tilespmem:s26+$0x1B710];
	[tilespmem:s26+$0x1B6A0] =	vst v18;
	v18 =	vmul.f32 v34, v32  }
0x9d: {  	v40 =	vld [tilespmem:s26+$0x1B720];
	[tilespmem:s26+$0x1B6B0] =	vst v19;
	v19 =	vmul.f32 v35, v32  }
0x9e: {  	v42 =	vld [tilespmem:s26+$0x1B730];
	v41 =	vperm.xlane v17, v13;
	[tilespmem:s26+$0x1B6C0] =	vst v18;
	v18 =	vmul.f32 v36, v32  }
0x9f: {  	v43 =	vld [tilespmem:s26+$0x1B740];
	[tilespmem:s26+$0x1B6D0] =	vst v19;
	v19 =	vmul.f32 v37, v32  }
0xa0: {  	v44 =	vld [tilespmem:s26+$0x1B750];
	[tilespmem:s26+$0x1B6E0] =	vst v18;
	v18 =	vmul.f32 v38, v41  }
0xa1: {  	v45 =	vld [tilespmem:s26+$0x1B760];
	[tilespmem:s26+$0x1B6F0] =	vst v19;
	v19 =	vmul.f32 v39, v41  }
0xa2: {  	v46 =	vld [tilespmem:s26+$0x1B770];
	[tilespmem:s26+$0x1B700] =	vst v18;
	v18 =	vmul.f32 v40, v41  }
0xa3: {  	v47 =	vld [tilespmem:s26+$0x1B780];
	[tilespmem:s26+$0x1B710] =	vst v19;
	v19 =	vmul.f32 v42, v41  }
0xa4: {  	v48 =	vld [tilespmem:s26+$0x1B790];
	[tilespmem:s26+$0x1B720] =	vst v18;
	v18 =	vmul.f32 v43, v41  }
0xa5: {  	v49 =	vld [tilespmem:s26+$0x1B7A0];
	[tilespmem:s26+$0x1B730] =	vst v19;
	v19 =	vmul.f32 v44, v41  }
0xa6: {  	v51 =	vld [tilespmem:s26+$0x1B7B0];
	v50 =	vperm.xlane v17, v14;
	[tilespmem:s26+$0x1B740] =	vst v18;
	v18 =	vmul.f32 v45, v41  }
0xa7: {  	v52 =	vld [tilespmem:s26+$0x1B7C0];
	[tilespmem:s26+$0x1B750] =	vst v19;
	v19 =	vmul.f32 v46, v41  }
0xa8: {  	v53 =	vld [tilespmem:s26+$0x1B7D0];
	[tilespmem:s26+$0x1B760] =	vst v18;
	v18 =	vmul.f32 v47, v50  }
0xa9: {  	v54 =	vld [tilespmem:s26+$0x1B7E0];
	[tilespmem:s26+$0x1B770] =	vst v19;
	v19 =	vmul.f32 v48, v50  }
0xaa: {  	v55 =	vld [tilespmem:s26+$0x1B7F0];
	[tilespmem:s26+$0x1B780] =	vst v18;
	v18 =	vmul.f32 v49, v50  }
0xab: {  	v56 =	vld [tilespmem:s26+$0x1B800];
	[tilespmem:s26+$0x1B790] =	vst v19;
	v19 =	vmul.f32 v51, v50  }
0xac: {  	v57 =	vld [tilespmem:s26+$0x1B810];
	[tilespmem:s26+$0x1B7A0] =	vst v18;
	v18 =	vmul.f32 v52, v50  }
0xad: {  	v58 =	vld [tilespmem:s26+$0x1B820];
	[tilespmem:s26+$0x1B7B0] =	vst v19;
	v19 =	vmul.f32 v53, v50  }
0xae: {  	v17 =	vperm.xlane v17, v15;
	v59 =	vld [tilespmem:s26+$0x1B830];
	[tilespmem:s26+$0x1B7C0] =	vst v18;
	v18 =	vmul.f32 v54, v50  }
0xaf: {  	v60 =	vld [tilespmem:s26+$0x1B840];
	[tilespmem:s26+$0x1B7D0] =	vst v19;
	v19 =	vmul.f32 v55, v50  }
0xb0: {  	v61 =	vld [tilespmem:s26+$0x1B850];
	[tilespmem:s26+$0x1B7E0] =	vst v18;
	v18 =	vmul.f32 v56, v17  }
0xb1: {  	v62 =	vld [tilespmem:s26+$0x1B860];
	[tilespmem:s26+$0x1B7F0] =	vst v19;
	v19 =	vmul.f32 v57, v17  }
0xb2: {  	v63 =	vld [tilespmem:s26+$0x1B870];
	[tilespmem:s26+$0x1B800] =	vst v18;
	v18 =	vmul.f32 v58, v17  }
0xb3: {  	[tilespmem:s26+$0x1B810] =	vst v19;
	v19 =	vmul.f32 v59, v17  }
0xb4: {  	p1 =	sne.s32 s25, $0x7;
	[tilespmem:s26+$0x1B820] =	vst v18;
	v18 =	vmul.f32 v60, v17  }
.Ltmp0:
0xb5: {  	[tilespmem:s26+$0x1B830] =	vst v19;
	v19 =	vmul.f32 v61, v17;
	(pc) =	sbr.rel @p1 .LBB2_3-.Ltmp0, $4  }
0xb6: {  	[tilespmem:s26+$0x1B840] =	vst v18;
	v18 =	vmul.f32 v62, v17  }
0xb7: {  	[tilespmem:s26+$0x1B850] =	vst v19;
	v17 =	vmul.f32 v63, v17  }
0xb8: {  	[tilespmem:s26+$0x1B860] =	vst v18  }
0xb9: {  	s25 =	sadd.s32 $0x1, s25;
	[tilespmem:s26+$0x1B870] =	vst v17  }
0xba: {  	s23 =	sadd.s32 $0x1, s23  }
0xbb: {  	p1 =	sne.s32 s23, $0x4F  }
.Ltmp1:
0xbc: {  	s24 =	sadd.s32 $0x16080, s24;
	(pc) =	sbr.rel @p1 .LBB2_2-.Ltmp1, $4  }
0xbd: {  	[spmem:s3] =	stream.indirect.scatter.add.f32 [tilespmem:s20], [sflag:$0x2], $0x80, s24, s19, $0xb8;
	[tilespmem:$0x1F080] =	vst v63  }
0xbe: {  	_ =	swait.ge [sflag:s14], $0x4000  }
0xbf: {  	[sflag:s14] =	ssyncset.done $0x0  }
0xc0: {  	[sflag:s14] =	ssyncadd.s32 $0xFFFFC000  }
0xc1: {  	[bflag:$0x0] =	sbarrier.arrive $0xFFFF  }
0xc2: {  	[hbm:s10], [sflag:s6] =	dma.local [spmem:s13], $0x2700  }
0xc3: {  	s22 =	sadd.s32 $0x1, s22;
	_ =	swait.ge [sflag:s14], $0x2700  }
0xc4: {  	p1 =	sne.s32 s22, s12;
	[sflag:s14] =	ssyncset.done $0x0  }
.Ltmp2:
0xc5: {  	s23 =	simm.s32 @!p0 $0x2;
	[sflag:s14] =	ssyncadd.s32 $0xFFFFD900;
	(pc) =	sbr.rel @p1 .LBB2_1-.Ltmp2, $4  }
0xc6: {  	[hbm:s11], [sflag:s6] =	dma.local @!p0 [spmem:s15], $0x100  }
0xc7: {  	_ =	swait.ge @!p0 [sflag:s23], $0x100  }
0xc8: {  	[sflag:s23] =	ssyncset.done @!p0 $0x0  }
0xc9: {  	[sflag:s23] =	ssyncadd.s32 @!p0 $0xFFFFFF00  }
0xca: {  	_ =	sfence.sel $0x180000  }
0xcb: {  	[bflag:$0x0] =	sbarrier.arrive $0xFFFF  }
0xcc: {  	p0 =	sne.s32 s0, $0x0;
	_ =	strace $0x90000047  }
0xcd: {  	s0 =	sadd.s32 @!p0 $0x100000, s2;
	[bflag:$0x2] =	sbarrier.arrive $0xFFFF  }
0xce: {  	[sflag:s0] =	ssyncadd.tile.s32 @!p0 $0x1;
	_ =	shalt  }
.Lfunc_end2:
_tile_overlayer_lowered:
.L_overlay_start_2:
0xcf: {  	(tag) =	ssettag $0x2  }
0xd0: {  	s0 =	rddreg [dreg:$0x0];
	s2 =	stileid.u32  }
0xd1: {  	s1 =	rddreg [dreg:$0x1];
	p0 =	sne.s32 s2, $0x0  }
0xd2: {  	s3 =	rddreg [dreg:$0x2];
	[bflag:$0x3] =	sbarrier.arrive $0xFFFF;
	s2 =	simm.s32 @!p0 $0x1C02  }
0xd3: {  	[timem:s3], [sflag:s2] =	dma.local @!p0 [hbm:s0], s1  }
0xd4: {  	s0 =	simm.s32 @!p0 $0x2  }
0xd5: {  	_ =	swait.ge @!p0 [sflag:s0], s1  }
0xd6: {  	s1 =	ssub.s32 @!p0 $0x0, s1;
	[sflag:s0] =	ssyncset.done @!p0 $0x0  }
0xd7: {  	[sflag:s0] =	ssyncadd.s32 @!p0 s1  }
0xd8: {  	[bflag:$0x3] =	sbarrier.arrive $0xFFFF  }
0xd9: {  	_ =	shalt  }

</sc_bundles>
